<compile_context>
chip_gen: v7x
topology: tpu7x:2x2x1
jax: 0.10.2.dev20260603
libtpu: 0.0.44.dev20260713+nightly
codegen_flags: <defaults>
</compile_context>

<pallas_src>
import jax
import jax.numpy as jnp
from jax import lax
from jax.experimental import pallas as pl
from jax.experimental.pallas import tpu as pltpu
from jax.experimental.pallas import tpu_sc as plsc

X_SIZE = 496
Y_SIZE = 432
NCHANNELS = 64
NPILLARS = 12000
XY = X_SIZE * Y_SIZE
NC = 2
NS = 16
NW = NC * NS
CHUNK = 6784
SB = 128


def _make_sc_call(batch):
    mesh = plsc.VectorSubcoreMesh(core_axis_name="c", subcore_axis_name="s")

    @pl.kernel(
        out_type=jax.ShapeDtypeStruct((batch, NCHANNELS, XY), jnp.float32),
        mesh=mesh,
        compiler_params=pltpu.CompilerParams(
            needs_layout_passes=False, use_tc_tiling_on_sc=False),
        scratch_types=[
            pltpu.VMEM((NPILLARS,), jnp.int32),
            pltpu.VMEM((NPILLARS,), jnp.int32),
            pltpu.VMEM((CHUNK,), jnp.int32),
            pltpu.VMEM((CHUNK,), jnp.float32),
            pltpu.VMEM((SB, NCHANNELS), jnp.float32),
            pltpu.VMEM((NCHANNELS, SB), jnp.float32),
            pltpu.VMEM((16,), jnp.float32),
            pltpu.SemaphoreType.DMA,
        ],
    )
    def sc_scatter(feat_hbm, c0_hbm, c1_hbm, flag_hbm, out_hbm,
                   c0_v, c1_v, perm_v, valid_v, rows_v, tbuf_v, flag_v, sem):
        cid = lax.axis_index("c")
        sid = lax.axis_index("s")
        wid = sid * NC + cid
        base = wid * CHUNK
        valid = jnp.minimum(CHUNK, XY - base)
        n_sb = valid // SB
        lanes = lax.iota(jnp.int32, 16)
        zero16 = jnp.zeros((16,), jnp.float32)

        pltpu.sync_copy(flag_hbm, flag_v)
        flagv = flag_v[pl.ds(0, 16)]

        def batch_body(b, carry):
            b_off = b * NPILLARS
            pltpu.sync_copy(c0_hbm.at[pl.ds(b_off, NPILLARS)], c0_v)
            pltpu.sync_copy(c1_hbm.at[pl.ds(b_off, NPILLARS)], c1_v)

            @plsc.parallel_loop(0, CHUNK // 128, 1)
            def _(i):
                for j in range(8):
                    off = i * 128 + j * 16
                    perm_v[pl.ds(off, 16)] = b_off + off + lanes
                    valid_v[pl.ds(off, 16)] = zero16

            def scan_body(i, c):
                for j in range(10):
                    k = i * 10 + j
                    v0 = c0_v[pl.ds(k * 16, 16)]
                    v1 = c1_v[pl.ds(k * 16, 16)]
                    local = v0 * Y_SIZE + v1 - base
                    m = (local >= 0) & (local < valid)
                    safe = jnp.where(m, local, 0)
                    pid = b_off + k * 16 + lanes
                    plsc.store_scatter(perm_v, [safe], pid, mask=m)
                    plsc.store_scatter(valid_v, [safe], flagv, mask=m)
                return c

            lax.fori_loop(0, NPILLARS // 160, scan_body, 0)

            def sb_body(s, c):
                idx_slice = perm_v.at[pl.ds(s * SB, SB)]
                pltpu.async_copy(feat_hbm.at[idx_slice], rows_v, sem).wait()

                rows_idx = [j * 16 + lanes for j in range(SB // 16)]
                w = [valid_v[pl.ds(s * SB + j * 16, 16)]
                     for j in range(SB // 16)]

                @plsc.parallel_loop(0, NCHANNELS, 1, unroll=4)
                def _(ch):
                    col = jnp.full((16,), ch, jnp.int32)
                    for j in range(SB // 16):
                        vals = plsc.load_gather(rows_v, [rows_idx[j], col])
                        tbuf_v[ch, pl.ds(j * 16, 16)] = vals * w[j]

                pltpu.sync_copy(
                    tbuf_v, out_hbm.at[b, :, pl.ds(base + s * SB, SB)])
                return c

            lax.fori_loop(0, n_sb, sb_body, 0)
            return carry

        lax.fori_loop(0, batch, batch_body, 0)

    return sc_scatter


def kernel(input_feat, coords, batch_size):
    B = input_feat.shape[0]
    feat_flat = input_feat.reshape(B * NPILLARS, NCHANNELS)
    c0 = coords[:, :, 0].astype(jnp.int32).reshape(-1)
    c1 = coords[:, :, 1].astype(jnp.int32).reshape(-1)
    flag16 = jnp.broadcast_to(
        (jnp.asarray(batch_size) == B).astype(jnp.float32), (16,))
    out = _make_sc_call(B)(feat_flat, c0, c1, flag16)
    return out.reshape(B, NCHANNELS, X_SIZE, Y_SIZE)

# --- scband reference (transcript-rebuilt; emitter-appended) ---
"""Pipeline reference for scband-point-pillars-scatter-49228915147335 (READ-ONLY COPY).

The authoritative reference and input builder live on the scoring server;
editing this copy changes nothing except your own understanding.
"""

import jax, jax.numpy as jnp
import numpy as np

X_SIZE = 496
Y_SIZE = 432
NCHANNELS = 64
BATCH = 4
NPILLARS = 12000

def setup_inputs(seed: int = 0) -> dict:
    key = jax.random.key(seed)
    k1, k2 = jax.random.split(key)
    input_feat = jax.random.normal(k1, (BATCH, NPILLARS, NCHANNELS), dtype=jnp.float32)
    coords = jax.random.randint(k2, (BATCH, NPILLARS, 2), 0, Y_SIZE, dtype=jnp.int64)
    return {"input_feat": input_feat, "coords": coords, "batch_size": BATCH}

def reference(input_feat, coords, batch_size):
    def scatter_one(feat, coord):
        indices = (coord[:, 0] * Y_SIZE + coord[:, 1]).astype(jnp.int32)
        canvas = jnp.zeros((X_SIZE * Y_SIZE, NCHANNELS), dtype=feat.dtype)
        canvas = canvas.at[indices, :].set(feat)
        return canvas
    batch_canvas = jax.vmap(scatter_one)(input_feat, coords)
    batch_canvas = jnp.transpose(batch_canvas, (0, 2, 1))
    static_batch = input_feat.shape[0]
    batch_canvas = batch_canvas.reshape(static_batch, NCHANNELS, X_SIZE, Y_SIZE)
    batch_canvas = batch_canvas * (jnp.asarray(batch_size) == static_batch).astype(batch_canvas.dtype)
    return batch_canvas

if __name__ == "__main__":
    import jax
    _d = setup_inputs()
    print(jax.jit(kernel)(*tuple(_d.values())))

</pallas_src>

<mosaic_0001>
#map = affine_map<(d0, d1) -> (0, 0)>
#map1 = affine_map<(d0, d1) -> (0)>
#map2 = affine_map<(d0, d1) -> (0, 0, 0)>
module attributes {stable_mosaic.version = 14 : i64} {
  func.func @sc_scatter(%arg0: i32, %arg1: i32, %arg2: memref<48000x64xf32, #tpu.memory_space<hbm>>, %arg3: memref<48000xi32, #tpu.memory_space<hbm>>, %arg4: memref<48000xi32, #tpu.memory_space<hbm>>, %arg5: memref<16xf32, #tpu.memory_space<hbm>>, %arg6: memref<4x64x214272xf32, #tpu.memory_space<hbm>>, %arg7: memref<12000xi32, #tpu.memory_space<vmem>>, %arg8: memref<12000xi32, #tpu.memory_space<vmem>>, %arg9: memref<6784xi32, #tpu.memory_space<vmem>>, %arg10: memref<6784xf32, #tpu.memory_space<vmem>>, %arg11: memref<128x64xf32, #tpu.memory_space<vmem>>, %arg12: memref<64x128xf32, #tpu.memory_space<vmem>>, %arg13: memref<16xf32, #tpu.memory_space<vmem>>, %arg14: memref<!tpu.dma_semaphore, #tpu.memory_space<semaphore_mem>>) attributes {dimension_semantics = [#tpu.dimension_semantics<core_parallel>, #tpu.dimension_semantics<subcore_parallel>], iteration_bounds = array<i64: 2, 16>, scalar_prefetch = 0 : i64, scratch_operands = 8 : i64, tpu.core_type = #tpu.core_type<sc_vector_subcore>, window_params = [{transform_indices = #map}, {transform_indices = #map1}, {transform_indices = #map1}, {transform_indices = #map1}, {transform_indices = #map2}]} {
    %mul3A = arith.constant 2 : i32
    %mul3A_0 = arith.muli %arg1, %mul3A : i32
    %add3A = arith.addi %mul3A_0, %arg0 : i32
    %mul3A_1 = arith.constant 6784 : i32
    %mul3A_2 = arith.muli %add3A, %mul3A_1 : i32
    %sub3A = arith.constant 214272 : i32
    %sub3A_3 = arith.subi %sub3A, %mul3A_2 : i32
    %min3A = arith.constant 6784 : i32
    %min3A_4 = arith.minsi %min3A, %sub3A_3 : i32
    %jit3A = arith.constant 128 : i32
    %div3A = arith.divsi %min3A_4, %jit3A : i32
    %sign3A = arith.constant 0 : i32
    %sign3A_5 = arith.cmpi sgt, %min3A_4, %sign3A : i32
    %sign3A_6 = arith.extui %sign3A_5 : i1 to i32
    %sign3A_7 = arith.constant 0 : i32
    %sign3A_8 = arith.cmpi slt, %min3A_4, %sign3A_7 : i32
    %sign3A_9 = arith.extui %sign3A_8 : i1 to i32
    %sign3A_10 = arith.subi %sign3A_6, %sign3A_9 : i32
    %sign3A_11 = arith.constant 0 : i32
    %sign3A_12 = arith.cmpi sgt, %jit3A, %sign3A_11 : i32
    %sign3A_13 = arith.extui %sign3A_12 : i1 to i32
    %sign3A_14 = arith.constant 0 : i32
    %sign3A_15 = arith.cmpi slt, %jit3A, %sign3A_14 : i32
    %sign3A_16 = arith.extui %sign3A_15 : i1 to i32
    %sign3A_17 = arith.subi %sign3A_13, %sign3A_16 : i32
    %ne3A = arith.cmpi ne, %sign3A_10, %sign3A_17 : i32
    %rem3A = arith.remsi %min3A_4, %jit3A : i32
    %ne3A_18 = arith.constant 0 : i32
    %ne3A_19 = arith.cmpi ne, %rem3A, %ne3A_18 : i32
    %and3A = arith.andi %ne3A, %ne3A_19 : i1
    %sub3A_20 = arith.constant 1 : i32
    %sub3A_21 = arith.subi %div3A, %sub3A_20 : i32
    %select_n3A = arith.select %and3A, %sub3A_21, %div3A : i32
    %iota3A = tpu.iota {dimensions = array<i32: 0>} : vector<16xi32>
    %broadcast_in_dim3A = arith.constant 0.000000e+00 : f32
    %broadcast_in_dim3A_22 = vector.broadcast %broadcast_in_dim3A : f32 to vector<16xf32>
    "tpu.region"() ({
      %run_scoped3A = tpu.sem_alloc : memref<!tpu.dma_semaphore, #tpu.memory_space<semaphore_mem>>
      tpu.enqueue_dma source(%arg5 : memref<16xf32, #tpu.memory_space<hbm>>) target(%arg13 : memref<16xf32, #tpu.memory_space<vmem>>) target_semaphore(%run_scoped3A : memref<!tpu.dma_semaphore, #tpu.memory_space<semaphore_mem>>)
      tpu.wait_dma2 semaphore(%run_scoped3A : memref<!tpu.dma_semaphore, #tpu.memory_space<semaphore_mem>>) src(%arg5 : memref<16xf32, #tpu.memory_space<hbm>>) dst(%arg13 : memref<16xf32, #tpu.memory_space<vmem>>)
      tpu.yield
    }) : () -> ()
    %get3A = arith.constant 0 : index
    %get3A_23 = tpu.vector_load %arg13[%get3A] {strides = array<i32>} : memref<16xf32, #tpu.memory_space<vmem>>, vector<16xf32>,
    %scan3A = arith.constant 0 : i32
    %scan3A_24 = arith.constant 0 : i32
    %scan3A_25 = arith.constant 4 : i32
    %scan3A_26 = arith.addi %scan3A_24, %scan3A_25 : i32
    %scan3A_27 = arith.constant 1 : i32
    scf.for %scan3A_29 = %scan3A_24 to %scan3A_26 step %scan3A_27  : i32 {
      %mul3A_30 = arith.constant 12000 : i32
      %mul3A_31 = arith.muli %scan3A_29, %mul3A_30 : i32
      "tpu.region"() ({
        %run_scoped3A = tpu.sem_alloc : memref<!tpu.dma_semaphore, #tpu.memory_space<semaphore_mem>>
        %dma_start3A = tpu.memref_slice %arg3[%mul3A_31] : memref<48000xi32, #tpu.memory_space<hbm>> -> memref<12000xi32, #tpu.memory_space<hbm>>
        %dma_start3A_49 = tpu.memref_slice %arg3[%mul3A_31] : memref<48000xi32, #tpu.memory_space<hbm>> -> memref<12000xi32, #tpu.memory_space<hbm>>
        tpu.enqueue_dma source(%dma_start3A_49 : memref<12000xi32, #tpu.memory_space<hbm>>) target(%arg7 : memref<12000xi32, #tpu.memory_space<vmem>>) target_semaphore(%run_scoped3A : memref<!tpu.dma_semaphore, #tpu.memory_space<semaphore_mem>>)
        %dma_wait3A = tpu.memref_slice %arg3[%mul3A_31] : memref<48000xi32, #tpu.memory_space<hbm>> -> memref<12000xi32, #tpu.memory_space<hbm>>
        %dma_wait3A_50 = tpu.memref_slice %arg3[%mul3A_31] : memref<48000xi32, #tpu.memory_space<hbm>> -> memref<12000xi32, #tpu.memory_space<hbm>>
        tpu.wait_dma2 semaphore(%run_scoped3A : memref<!tpu.dma_semaphore, #tpu.memory_space<semaphore_mem>>) src(%dma_wait3A_50 : memref<12000xi32, #tpu.memory_space<hbm>>) dst(%arg7 : memref<12000xi32, #tpu.memory_space<vmem>>)
        tpu.yield
      }) : () -> ()
      "tpu.region"() ({
        %run_scoped3A = tpu.sem_alloc : memref<!tpu.dma_semaphore, #tpu.memory_space<semaphore_mem>>
        %dma_start3A = tpu.memref_slice %arg4[%mul3A_31] : memref<48000xi32, #tpu.memory_space<hbm>> -> memref<12000xi32, #tpu.memory_space<hbm>>
        %dma_start3A_49 = tpu.memref_slice %arg4[%mul3A_31] : memref<48000xi32, #tpu.memory_space<hbm>> -> memref<12000xi32, #tpu.memory_space<hbm>>
        tpu.enqueue_dma source(%dma_start3A_49 : memref<12000xi32, #tpu.memory_space<hbm>>) target(%arg8 : memref<12000xi32, #tpu.memory_space<vmem>>) target_semaphore(%run_scoped3A : memref<!tpu.dma_semaphore, #tpu.memory_space<semaphore_mem>>)
        %dma_wait3A = tpu.memref_slice %arg4[%mul3A_31] : memref<48000xi32, #tpu.memory_space<hbm>> -> memref<12000xi32, #tpu.memory_space<hbm>>
        %dma_wait3A_50 = tpu.memref_slice %arg4[%mul3A_31] : memref<48000xi32, #tpu.memory_space<hbm>> -> memref<12000xi32, #tpu.memory_space<hbm>>
        tpu.wait_dma2 semaphore(%run_scoped3A : memref<!tpu.dma_semaphore, #tpu.memory_space<semaphore_mem>>) src(%dma_wait3A_50 : memref<12000xi32, #tpu.memory_space<hbm>>) dst(%arg8 : memref<12000xi32, #tpu.memory_space<vmem>>)
        tpu.yield
      }) : () -> ()
      %parallel_loop3A = arith.constant 0 : i32
      %parallel_loop3A_32 = arith.constant 53 : i32
      %parallel_loop3A_33 = arith.constant 1 : i32
      scf.for %parallel_loop3A_49 = %parallel_loop3A to %parallel_loop3A_32 step %parallel_loop3A_33  : i32 {
        %parallel_loop3A_50 = arith.constant 128 : i32
        %parallel_loop3A_51 = arith.muli %parallel_loop3A_49, %parallel_loop3A_50 : i32
        %parallel_loop3A_52 = arith.constant 0 : i32
        %parallel_loop3A_53 = arith.addi %parallel_loop3A_51, %parallel_loop3A_52 : i32
        %parallel_loop3A_54 = arith.addi %mul3A_31, %parallel_loop3A_53 : i32
        %parallel_loop3A_55 = vector.broadcast %parallel_loop3A_54 : i32 to vector<16xi32>
        %parallel_loop3A_56 = arith.addi %parallel_loop3A_55, %iota3A : vector<16xi32>
        %parallel_loop3A_57 = arith.index_cast %parallel_loop3A_53 : i32 to index
        %parallel_loop3A_58 = tpu.vector_load %arg9[%parallel_loop3A_57] {strides = array<i32>} : memref<6784xi32, #tpu.memory_space<vmem>>, vector<16xi32>,
        tpu.vector_store %arg9[%parallel_loop3A_57], %parallel_loop3A_56 {strides = array<i32>} : memref<6784xi32, #tpu.memory_space<vmem>>, vector<16xi32>,
        %parallel_loop3A_59 = arith.index_cast %parallel_loop3A_53 : i32 to index
        %parallel_loop3A_60 = tpu.vector_load %arg10[%parallel_loop3A_59] {strides = array<i32>} : memref<6784xf32, #tpu.memory_space<vmem>>, vector<16xf32>,
        tpu.vector_store %arg10[%parallel_loop3A_59], %broadcast_in_dim3A_22 {strides = array<i32>} : memref<6784xf32, #tpu.memory_space<vmem>>, vector<16xf32>,
        %parallel_loop3A_61 = arith.constant 128 : i32
        %parallel_loop3A_62 = arith.muli %parallel_loop3A_49, %parallel_loop3A_61 : i32
        %parallel_loop3A_63 = arith.constant 16 : i32
        %parallel_loop3A_64 = arith.addi %parallel_loop3A_62, %parallel_loop3A_63 : i32
        %parallel_loop3A_65 = arith.addi %mul3A_31, %parallel_loop3A_64 : i32
        %parallel_loop3A_66 = vector.broadcast %parallel_loop3A_65 : i32 to vector<16xi32>
        %parallel_loop3A_67 = arith.addi %parallel_loop3A_66, %iota3A : vector<16xi32>
        %parallel_loop3A_68 = arith.index_cast %parallel_loop3A_64 : i32 to index
        %parallel_loop3A_69 = tpu.vector_load %arg9[%parallel_loop3A_68] {strides = array<i32>} : memref<6784xi32, #tpu.memory_space<vmem>>, vector<16xi32>,
        tpu.vector_store %arg9[%parallel_loop3A_68], %parallel_loop3A_67 {strides = array<i32>} : memref<6784xi32, #tpu.memory_space<vmem>>, vector<16xi32>,
        %parallel_loop3A_70 = arith.index_cast %parallel_loop3A_64 : i32 to index
        %parallel_loop3A_71 = tpu.vector_load %arg10[%parallel_loop3A_70] {strides = array<i32>} : memref<6784xf32, #tpu.memory_space<vmem>>, vector<16xf32>,
        tpu.vector_store %arg10[%parallel_loop3A_70], %broadcast_in_dim3A_22 {strides = array<i32>} : memref<6784xf32, #tpu.memory_space<vmem>>, vector<16xf32>,
        %parallel_loop3A_72 = arith.constant 128 : i32
        %parallel_loop3A_73 = arith.muli %parallel_loop3A_49, %parallel_loop3A_72 : i32
        %parallel_loop3A_74 = arith.constant 32 : i32
        %parallel_loop3A_75 = arith.addi %parallel_loop3A_73, %parallel_loop3A_74 : i32
        %parallel_loop3A_76 = arith.addi %mul3A_31, %parallel_loop3A_75 : i32
        %parallel_loop3A_77 = vector.broadcast %parallel_loop3A_76 : i32 to vector<16xi32>
        %parallel_loop3A_78 = arith.addi %parallel_loop3A_77, %iota3A : vector<16xi32>
        %parallel_loop3A_79 = arith.index_cast %parallel_loop3A_75 : i32 to index
        %parallel_loop3A_80 = tpu.vector_load %arg9[%parallel_loop3A_79] {strides = array<i32>} : memref<6784xi32, #tpu.memory_space<vmem>>, vector<16xi32>,
        tpu.vector_store %arg9[%parallel_loop3A_79], %parallel_loop3A_78 {strides = array<i32>} : memref<6784xi32, #tpu.memory_space<vmem>>, vector<16xi32>,
        %parallel_loop3A_81 = arith.index_cast %parallel_loop3A_75 : i32 to index
        %parallel_loop3A_82 = tpu.vector_load %arg10[%parallel_loop3A_81] {strides = array<i32>} : memref<6784xf32, #tpu.memory_space<vmem>>, vector<16xf32>,
        tpu.vector_store %arg10[%parallel_loop3A_81], %broadcast_in_dim3A_22 {strides = array<i32>} : memref<6784xf32, #tpu.memory_space<vmem>>, vector<16xf32>,
        %parallel_loop3A_83 = arith.constant 128 : i32
        %parallel_loop3A_84 = arith.muli %parallel_loop3A_49, %parallel_loop3A_83 : i32
        %parallel_loop3A_85 = arith.constant 48 : i32
        %parallel_loop3A_86 = arith.addi %parallel_loop3A_84, %parallel_loop3A_85 : i32
        %parallel_loop3A_87 = arith.addi %mul3A_31, %parallel_loop3A_86 : i32
        %parallel_loop3A_88 = vector.broadcast %parallel_loop3A_87 : i32 to vector<16xi32>
        %parallel_loop3A_89 = arith.addi %parallel_loop3A_88, %iota3A : vector<16xi32>
        %parallel_loop3A_90 = arith.index_cast %parallel_loop3A_86 : i32 to index
        %parallel_loop3A_91 = tpu.vector_load %arg9[%parallel_loop3A_90] {strides = array<i32>} : memref<6784xi32, #tpu.memory_space<vmem>>, vector<16xi32>,
        tpu.vector_store %arg9[%parallel_loop3A_90], %parallel_loop3A_89 {strides = array<i32>} : memref<6784xi32, #tpu.memory_space<vmem>>, vector<16xi32>,
        %parallel_loop3A_92 = arith.index_cast %parallel_loop3A_86 : i32 to index
        %parallel_loop3A_93 = tpu.vector_load %arg10[%parallel_loop3A_92] {strides = array<i32>} : memref<6784xf32, #tpu.memory_space<vmem>>, vector<16xf32>,
        tpu.vector_store %arg10[%parallel_loop3A_92], %broadcast_in_dim3A_22 {strides = array<i32>} : memref<6784xf32, #tpu.memory_space<vmem>>, vector<16xf32>,
        %parallel_loop3A_94 = arith.constant 128 : i32
        %parallel_loop3A_95 = arith.muli %parallel_loop3A_49, %parallel_loop3A_94 : i32
        %parallel_loop3A_96 = arith.constant 64 : i32
        %parallel_loop3A_97 = arith.addi %parallel_loop3A_95, %parallel_loop3A_96 : i32
        %parallel_loop3A_98 = arith.addi %mul3A_31, %parallel_loop3A_97 : i32
        %parallel_loop3A_99 = vector.broadcast %parallel_loop3A_98 : i32 to vector<16xi32>
        %parallel_loop3A_100 = arith.addi %parallel_loop3A_99, %iota3A : vector<16xi32>
        %parallel_loop3A_101 = arith.index_cast %parallel_loop3A_97 : i32 to index
        %parallel_loop3A_102 = tpu.vector_load %arg9[%parallel_loop3A_101] {strides = array<i32>} : memref<6784xi32, #tpu.memory_space<vmem>>, vector<16xi32>,
        tpu.vector_store %arg9[%parallel_loop3A_101], %parallel_loop3A_100 {strides = array<i32>} : memref<6784xi32, #tpu.memory_space<vmem>>, vector<16xi32>,
        %parallel_loop3A_103 = arith.index_cast %parallel_loop3A_97 : i32 to index
        %parallel_loop3A_104 = tpu.vector_load %arg10[%parallel_loop3A_103] {strides = array<i32>} : memref<6784xf32, #tpu.memory_space<vmem>>, vector<16xf32>,
        tpu.vector_store %arg10[%parallel_loop3A_103], %broadcast_in_dim3A_22 {strides = array<i32>} : memref<6784xf32, #tpu.memory_space<vmem>>, vector<16xf32>,
        %parallel_loop3A_105 = arith.constant 128 : i32
        %parallel_loop3A_106 = arith.muli %parallel_loop3A_49, %parallel_loop3A_105 : i32
        %parallel_loop3A_107 = arith.constant 80 : i32
        %parallel_loop3A_108 = arith.addi %parallel_loop3A_106, %parallel_loop3A_107 : i32
        %parallel_loop3A_109 = arith.addi %mul3A_31, %parallel_loop3A_108 : i32
        %parallel_loop3A_110 = vector.broadcast %parallel_loop3A_109 : i32 to vector<16xi32>
        %parallel_loop3A_111 = arith.addi %parallel_loop3A_110, %iota3A : vector<16xi32>
        %parallel_loop3A_112 = arith.index_cast %parallel_loop3A_108 : i32 to index
        %parallel_loop3A_113 = tpu.vector_load %arg9[%parallel_loop3A_112] {strides = array<i32>} : memref<6784xi32, #tpu.memory_space<vmem>>, vector<16xi32>,
        tpu.vector_store %arg9[%parallel_loop3A_112], %parallel_loop3A_111 {strides = array<i32>} : memref<6784xi32, #tpu.memory_space<vmem>>, vector<16xi32>,
        %parallel_loop3A_114 = arith.index_cast %parallel_loop3A_108 : i32 to index
        %parallel_loop3A_115 = tpu.vector_load %arg10[%parallel_loop3A_114] {strides = array<i32>} : memref<6784xf32, #tpu.memory_space<vmem>>, vector<16xf32>,
        tpu.vector_store %arg10[%parallel_loop3A_114], %broadcast_in_dim3A_22 {strides = array<i32>} : memref<6784xf32, #tpu.memory_space<vmem>>, vector<16xf32>,
        %parallel_loop3A_116 = arith.constant 128 : i32
        %parallel_loop3A_117 = arith.muli %parallel_loop3A_49, %parallel_loop3A_116 : i32
        %parallel_loop3A_118 = arith.constant 96 : i32
        %parallel_loop3A_119 = arith.addi %parallel_loop3A_117, %parallel_loop3A_118 : i32
        %parallel_loop3A_120 = arith.addi %mul3A_31, %parallel_loop3A_119 : i32
        %parallel_loop3A_121 = vector.broadcast %parallel_loop3A_120 : i32 to vector<16xi32>
        %parallel_loop3A_122 = arith.addi %parallel_loop3A_121, %iota3A : vector<16xi32>
        %parallel_loop3A_123 = arith.index_cast %parallel_loop3A_119 : i32 to index
        %parallel_loop3A_124 = tpu.vector_load %arg9[%parallel_loop3A_123] {strides = array<i32>} : memref<6784xi32, #tpu.memory_space<vmem>>, vector<16xi32>,
        tpu.vector_store %arg9[%parallel_loop3A_123], %parallel_loop3A_122 {strides = array<i32>} : memref<6784xi32, #tpu.memory_space<vmem>>, vector<16xi32>,
        %parallel_loop3A_125 = arith.index_cast %parallel_loop3A_119 : i32 to index
        %parallel_loop3A_126 = tpu.vector_load %arg10[%parallel_loop3A_125] {strides = array<i32>} : memref<6784xf32, #tpu.memory_space<vmem>>, vector<16xf32>,
        tpu.vector_store %arg10[%parallel_loop3A_125], %broadcast_in_dim3A_22 {strides = array<i32>} : memref<6784xf32, #tpu.memory_space<vmem>>, vector<16xf32>,
        %parallel_loop3A_127 = arith.constant 128 : i32
        %parallel_loop3A_128 = arith.muli %parallel_loop3A_49, %parallel_loop3A_127 : i32
        %parallel_loop3A_129 = arith.constant 112 : i32
        %parallel_loop3A_130 = arith.addi %parallel_loop3A_128, %parallel_loop3A_129 : i32
        %parallel_loop3A_131 = arith.addi %mul3A_31, %parallel_loop3A_130 : i32
        %parallel_loop3A_132 = vector.broadcast %parallel_loop3A_131 : i32 to vector<16xi32>
        %parallel_loop3A_133 = arith.addi %parallel_loop3A_132, %iota3A : vector<16xi32>
        %parallel_loop3A_134 = arith.index_cast %parallel_loop3A_130 : i32 to index
        %parallel_loop3A_135 = tpu.vector_load %arg9[%parallel_loop3A_134] {strides = array<i32>} : memref<6784xi32, #tpu.memory_space<vmem>>, vector<16xi32>,
        tpu.vector_store %arg9[%parallel_loop3A_134], %parallel_loop3A_133 {strides = array<i32>} : memref<6784xi32, #tpu.memory_space<vmem>>, vector<16xi32>,
        %parallel_loop3A_136 = arith.index_cast %parallel_loop3A_130 : i32 to index
        %parallel_loop3A_137 = tpu.vector_load %arg10[%parallel_loop3A_136] {strides = array<i32>} : memref<6784xf32, #tpu.memory_space<vmem>>, vector<16xf32>,
        tpu.vector_store %arg10[%parallel_loop3A_136], %broadcast_in_dim3A_22 {strides = array<i32>} : memref<6784xf32, #tpu.memory_space<vmem>>, vector<16xf32>,
      } {sc.loop_unroll_factor = 1 : i64, sc.parallel_access}
      %scan3A_34 = arith.constant 0 : i32
      %scan3A_35 = arith.constant 0 : i32
      %scan3A_36 = arith.constant 75 : i32
      %scan3A_37 = arith.addi %scan3A_35, %scan3A_36 : i32
      %scan3A_38 = arith.constant 1 : i32
      scf.for %scan3A_49 = %scan3A_35 to %scan3A_37 step %scan3A_38  : i32 {
        %mul3A_50 = arith.constant 10 : i32
        %mul3A_51 = arith.muli %scan3A_49, %mul3A_50 : i32
        %add3A_52 = arith.constant 0 : i32
        %add3A_53 = arith.addi %mul3A_51, %add3A_52 : i32
        %mul3A_54 = arith.constant 16 : i32
        %mul3A_55 = arith.muli %add3A_53, %mul3A_54 : i32
        %get3A_56 = arith.index_cast %mul3A_55 : i32 to index
        %get3A_57 = tpu.vector_load %arg7[%get3A_56] {strides = array<i32>} : memref<12000xi32, #tpu.memory_space<vmem>>, vector<16xi32>,
        %mul3A_58 = arith.constant 16 : i32
        %mul3A_59 = arith.muli %add3A_53, %mul3A_58 : i32
        %get3A_60 = arith.index_cast %mul3A_59 : i32 to index
        %get3A_61 = tpu.vector_load %arg8[%get3A_60] {strides = array<i32>} : memref<12000xi32, #tpu.memory_space<vmem>>, vector<16xi32>,
        %mul3A_62 = arith.constant 432 : i32
        %mul3A_63 = vector.broadcast %mul3A_62 : i32 to vector<16xi32>
        %mul3A_64 = arith.muli %get3A_57, %mul3A_63 : vector<16xi32>
        %add3A_65 = arith.addi %mul3A_64, %get3A_61 : vector<16xi32>
        %sub3A_66 = vector.broadcast %mul3A_2 : i32 to vector<16xi32>
        %sub3A_67 = arith.subi %add3A_65, %sub3A_66 : vector<16xi32>
        %ge3A = arith.constant 0 : i32
        %ge3A_68 = vector.broadcast %ge3A : i32 to vector<16xi32>
        %ge3A_69 = arith.cmpi sge, %sub3A_67, %ge3A_68 : vector<16xi32>
        %lt3A = vector.broadcast %min3A_4 : i32 to vector<16xi32>
        %lt3A_70 = arith.cmpi slt, %sub3A_67, %lt3A : vector<16xi32>
        %and3A_71 = arith.andi %ge3A_69, %lt3A_70 : vector<16xi1>
        %jit3A_72 = arith.constant 0 : i32
        %broadcast_in_dim3A_73 = vector.broadcast %jit3A_72 : i32 to vector<16xi32>
        %select_n3A_74 = arith.select %and3A_71, %sub3A_67, %broadcast_in_dim3A_73 : vector<16xi1>, vector<16xi32>
        %mul3A_75 = arith.constant 16 : i32
        %mul3A_76 = arith.muli %add3A_53, %mul3A_75 : i32
        %add3A_77 = arith.addi %mul3A_31, %mul3A_76 : i32
        %add3A_78 = vector.broadcast %add3A_77 : i32 to vector<16xi32>
        %add3A_79 = arith.addi %add3A_78, %iota3A : vector<16xi32>
        tpu.vector_store_idx %arg9[%select_n3A_74], %add3A_79 masked %and3A_71 : memref<6784xi32, #tpu.memory_space<vmem>>[vector<16xi32>], vector<16xi32>, vector<16xi1>
        tpu.vector_store_idx %arg10[%select_n3A_74], %get3A_23 masked %and3A_71 : memref<6784xf32, #tpu.memory_space<vmem>>[vector<16xi32>], vector<16xf32>, vector<16xi1>
        %mul3A_80 = arith.constant 10 : i32
        %mul3A_81 = arith.muli %scan3A_49, %mul3A_80 : i32
        %add3A_82 = arith.constant 1 : i32
        %add3A_83 = arith.addi %mul3A_81, %add3A_82 : i32
        %mul3A_84 = arith.constant 16 : i32
        %mul3A_85 = arith.muli %add3A_83, %mul3A_84 : i32
        %get3A_86 = arith.index_cast %mul3A_85 : i32 to index
        %get3A_87 = tpu.vector_load %arg7[%get3A_86] {strides = array<i32>} : memref<12000xi32, #tpu.memory_space<vmem>>, vector<16xi32>,
        %mul3A_88 = arith.constant 16 : i32
        %mul3A_89 = arith.muli %add3A_83, %mul3A_88 : i32
        %get3A_90 = arith.index_cast %mul3A_89 : i32 to index
        %get3A_91 = tpu.vector_load %arg8[%get3A_90] {strides = array<i32>} : memref<12000xi32, #tpu.memory_space<vmem>>, vector<16xi32>,
        %mul3A_92 = arith.constant 432 : i32
        %mul3A_93 = vector.broadcast %mul3A_92 : i32 to vector<16xi32>
        %mul3A_94 = arith.muli %get3A_87, %mul3A_93 : vector<16xi32>
        %add3A_95 = arith.addi %mul3A_94, %get3A_91 : vector<16xi32>
        %sub3A_96 = vector.broadcast %mul3A_2 : i32 to vector<16xi32>
        %sub3A_97 = arith.subi %add3A_95, %sub3A_96 : vector<16xi32>
        %ge3A_98 = arith.constant 0 : i32
        %ge3A_99 = vector.broadcast %ge3A_98 : i32 to vector<16xi32>
        %ge3A_100 = arith.cmpi sge, %sub3A_97, %ge3A_99 : vector<16xi32>
        %lt3A_101 = vector.broadcast %min3A_4 : i32 to vector<16xi32>
        %lt3A_102 = arith.cmpi slt, %sub3A_97, %lt3A_101 : vector<16xi32>
        %and3A_103 = arith.andi %ge3A_100, %lt3A_102 : vector<16xi1>
        %jit3A_104 = arith.constant 0 : i32
        %broadcast_in_dim3A_105 = vector.broadcast %jit3A_104 : i32 to vector<16xi32>
        %select_n3A_106 = arith.select %and3A_103, %sub3A_97, %broadcast_in_dim3A_105 : vector<16xi1>, vector<16xi32>
        %mul3A_107 = arith.constant 16 : i32
        %mul3A_108 = arith.muli %add3A_83, %mul3A_107 : i32
        %add3A_109 = arith.addi %mul3A_31, %mul3A_108 : i32
        %add3A_110 = vector.broadcast %add3A_109 : i32 to vector<16xi32>
        %add3A_111 = arith.addi %add3A_110, %iota3A : vector<16xi32>
        tpu.vector_store_idx %arg9[%select_n3A_106], %add3A_111 masked %and3A_103 : memref<6784xi32, #tpu.memory_space<vmem>>[vector<16xi32>], vector<16xi32>, vector<16xi1>
        tpu.vector_store_idx %arg10[%select_n3A_106], %get3A_23 masked %and3A_103 : memref<6784xf32, #tpu.memory_space<vmem>>[vector<16xi32>], vector<16xf32>, vector<16xi1>
        %mul3A_112 = arith.constant 10 : i32
        %mul3A_113 = arith.muli %scan3A_49, %mul3A_112 : i32
        %add3A_114 = arith.constant 2 : i32
        %add3A_115 = arith.addi %mul3A_113, %add3A_114 : i32
        %mul3A_116 = arith.constant 16 : i32
        %mul3A_117 = arith.muli %add3A_115, %mul3A_116 : i32
        %get3A_118 = arith.index_cast %mul3A_117 : i32 to index
        %get3A_119 = tpu.vector_load %arg7[%get3A_118] {strides = array<i32>} : memref<12000xi32, #tpu.memory_space<vmem>>, vector<16xi32>,
        %mul3A_120 = arith.constant 16 : i32
        %mul3A_121 = arith.muli %add3A_115, %mul3A_120 : i32
        %get3A_122 = arith.index_cast %mul3A_121 : i32 to index
        %get3A_123 = tpu.vector_load %arg8[%get3A_122] {strides = array<i32>} : memref<12000xi32, #tpu.memory_space<vmem>>, vector<16xi32>,
        %mul3A_124 = arith.constant 432 : i32
        %mul3A_125 = vector.broadcast %mul3A_124 : i32 to vector<16xi32>
        %mul3A_126 = arith.muli %get3A_119, %mul3A_125 : vector<16xi32>
        %add3A_127 = arith.addi %mul3A_126, %get3A_123 : vector<16xi32>
        %sub3A_128 = vector.broadcast %mul3A_2 : i32 to vector<16xi32>
        %sub3A_129 = arith.subi %add3A_127, %sub3A_128 : vector<16xi32>
        %ge3A_130 = arith.constant 0 : i32
        %ge3A_131 = vector.broadcast %ge3A_130 : i32 to vector<16xi32>
        %ge3A_132 = arith.cmpi sge, %sub3A_129, %ge3A_131 : vector<16xi32>
        %lt3A_133 = vector.broadcast %min3A_4 : i32 to vector<16xi32>
        %lt3A_134 = arith.cmpi slt, %sub3A_129, %lt3A_133 : vector<16xi32>
        %and3A_135 = arith.andi %ge3A_132, %lt3A_134 : vector<16xi1>
        %jit3A_136 = arith.constant 0 : i32
        %broadcast_in_dim3A_137 = vector.broadcast %jit3A_136 : i32 to vector<16xi32>
        %select_n3A_138 = arith.select %and3A_135, %sub3A_129, %broadcast_in_dim3A_137 : vector<16xi1>, vector<16xi32>
        %mul3A_139 = arith.constant 16 : i32
        %mul3A_140 = arith.muli %add3A_115, %mul3A_139 : i32
        %add3A_141 = arith.addi %mul3A_31, %mul3A_140 : i32
        %add3A_142 = vector.broadcast %add3A_141 : i32 to vector<16xi32>
        %add3A_143 = arith.addi %add3A_142, %iota3A : vector<16xi32>
        tpu.vector_store_idx %arg9[%select_n3A_138], %add3A_143 masked %and3A_135 : memref<6784xi32, #tpu.memory_space<vmem>>[vector<16xi32>], vector<16xi32>, vector<16xi1>
        tpu.vector_store_idx %arg10[%select_n3A_138], %get3A_23 masked %and3A_135 : memref<6784xf32, #tpu.memory_space<vmem>>[vector<16xi32>], vector<16xf32>, vector<16xi1>
        %mul3A_144 = arith.constant 10 : i32
        %mul3A_145 = arith.muli %scan3A_49, %mul3A_144 : i32
        %add3A_146 = arith.constant 3 : i32
        %add3A_147 = arith.addi %mul3A_145, %add3A_146 : i32
        %mul3A_148 = arith.constant 16 : i32
        %mul3A_149 = arith.muli %add3A_147, %mul3A_148 : i32
        %get3A_150 = arith.index_cast %mul3A_149 : i32 to index
        %get3A_151 = tpu.vector_load %arg7[%get3A_150] {strides = array<i32>} : memref<12000xi32, #tpu.memory_space<vmem>>, vector<16xi32>,
        %mul3A_152 = arith.constant 16 : i32
        %mul3A_153 = arith.muli %add3A_147, %mul3A_152 : i32
        %get3A_154 = arith.index_cast %mul3A_153 : i32 to index
        %get3A_155 = tpu.vector_load %arg8[%get3A_154] {strides = array<i32>} : memref<12000xi32, #tpu.memory_space<vmem>>, vector<16xi32>,
        %mul3A_156 = arith.constant 432 : i32
        %mul3A_157 = vector.broadcast %mul3A_156 : i32 to vector<16xi32>
        %mul3A_158 = arith.muli %get3A_151, %mul3A_157 : vector<16xi32>
        %add3A_159 = arith.addi %mul3A_158, %get3A_155 : vector<16xi32>
        %sub3A_160 = vector.broadcast %mul3A_2 : i32 to vector<16xi32>
        %sub3A_161 = arith.subi %add3A_159, %sub3A_160 : vector<16xi32>
        %ge3A_162 = arith.constant 0 : i32
        %ge3A_163 = vector.broadcast %ge3A_162 : i32 to vector<16xi32>
        %ge3A_164 = arith.cmpi sge, %sub3A_161, %ge3A_163 : vector<16xi32>
        %lt3A_165 = vector.broadcast %min3A_4 : i32 to vector<16xi32>
        %lt3A_166 = arith.cmpi slt, %sub3A_161, %lt3A_165 : vector<16xi32>
        %and3A_167 = arith.andi %ge3A_164, %lt3A_166 : vector<16xi1>
        %jit3A_168 = arith.constant 0 : i32
        %broadcast_in_dim3A_169 = vector.broadcast %jit3A_168 : i32 to vector<16xi32>
        %select_n3A_170 = arith.select %and3A_167, %sub3A_161, %broadcast_in_dim3A_169 : vector<16xi1>, vector<16xi32>
        %mul3A_171 = arith.constant 16 : i32
        %mul3A_172 = arith.muli %add3A_147, %mul3A_171 : i32
        %add3A_173 = arith.addi %mul3A_31, %mul3A_172 : i32
        %add3A_174 = vector.broadcast %add3A_173 : i32 to vector<16xi32>
        %add3A_175 = arith.addi %add3A_174, %iota3A : vector<16xi32>
        tpu.vector_store_idx %arg9[%select_n3A_170], %add3A_175 masked %and3A_167 : memref<6784xi32, #tpu.memory_space<vmem>>[vector<16xi32>], vector<16xi32>, vector<16xi1>
        tpu.vector_store_idx %arg10[%select_n3A_170], %get3A_23 masked %and3A_167 : memref<6784xf32, #tpu.memory_space<vmem>>[vector<16xi32>], vector<16xf32>, vector<16xi1>
        %mul3A_176 = arith.constant 10 : i32
        %mul3A_177 = arith.muli %scan3A_49, %mul3A_176 : i32
        %add3A_178 = arith.constant 4 : i32
        %add3A_179 = arith.addi %mul3A_177, %add3A_178 : i32
        %mul3A_180 = arith.constant 16 : i32
        %mul3A_181 = arith.muli %add3A_179, %mul3A_180 : i32
        %get3A_182 = arith.index_cast %mul3A_181 : i32 to index
        %get3A_183 = tpu.vector_load %arg7[%get3A_182] {strides = array<i32>} : memref<12000xi32, #tpu.memory_space<vmem>>, vector<16xi32>,
        %mul3A_184 = arith.constant 16 : i32
        %mul3A_185 = arith.muli %add3A_179, %mul3A_184 : i32
        %get3A_186 = arith.index_cast %mul3A_185 : i32 to index
        %get3A_187 = tpu.vector_load %arg8[%get3A_186] {strides = array<i32>} : memref<12000xi32, #tpu.memory_space<vmem>>, vector<16xi32>,
        %mul3A_188 = arith.constant 432 : i32
        %mul3A_189 = vector.broadcast %mul3A_188 : i32 to vector<16xi32>
        %mul3A_190 = arith.muli %get3A_183, %mul3A_189 : vector<16xi32>
        %add3A_191 = arith.addi %mul3A_190, %get3A_187 : vector<16xi32>
        %sub3A_192 = vector.broadcast %mul3A_2 : i32 to vector<16xi32>
        %sub3A_193 = arith.subi %add3A_191, %sub3A_192 : vector<16xi32>
        %ge3A_194 = arith.constant 0 : i32
        %ge3A_195 = vector.broadcast %ge3A_194 : i32 to vector<16xi32>
        %ge3A_196 = arith.cmpi sge, %sub3A_193, %ge3A_195 : vector<16xi32>
        %lt3A_197 = vector.broadcast %min3A_4 : i32 to vector<16xi32>
        %lt3A_198 = arith.cmpi slt, %sub3A_193, %lt3A_197 : vector<16xi32>
        %and3A_199 = arith.andi %ge3A_196, %lt3A_198 : vector<16xi1>
        %jit3A_200 = arith.constant 0 : i32
        %broadcast_in_dim3A_201 = vector.broadcast %jit3A_200 : i32 to vector<16xi32>
        %select_n3A_202 = arith.select %and3A_199, %sub3A_193, %broadcast_in_dim3A_201 : vector<16xi1>, vector<16xi32>
        %mul3A_203 = arith.constant 16 : i32
        %mul3A_204 = arith.muli %add3A_179, %mul3A_203 : i32
        %add3A_205 = arith.addi %mul3A_31, %mul3A_204 : i32
        %add3A_206 = vector.broadcast %add3A_205 : i32 to vector<16xi32>
        %add3A_207 = arith.addi %add3A_206, %iota3A : vector<16xi32>
        tpu.vector_store_idx %arg9[%select_n3A_202], %add3A_207 masked %and3A_199 : memref<6784xi32, #tpu.memory_space<vmem>>[vector<16xi32>], vector<16xi32>, vector<16xi1>
        tpu.vector_store_idx %arg10[%select_n3A_202], %get3A_23 masked %and3A_199 : memref<6784xf32, #tpu.memory_space<vmem>>[vector<16xi32>], vector<16xf32>, vector<16xi1>
        %mul3A_208 = arith.constant 10 : i32
        %mul3A_209 = arith.muli %scan3A_49, %mul3A_208 : i32
        %add3A_210 = arith.constant 5 : i32
        %add3A_211 = arith.addi %mul3A_209, %add3A_210 : i32
        %mul3A_212 = arith.constant 16 : i32
        %mul3A_213 = arith.muli %add3A_211, %mul3A_212 : i32
        %get3A_214 = arith.index_cast %mul3A_213 : i32 to index
        %get3A_215 = tpu.vector_load %arg7[%get3A_214] {strides = array<i32>} : memref<12000xi32, #tpu.memory_space<vmem>>, vector<16xi32>,
        %mul3A_216 = arith.constant 16 : i32
        %mul3A_217 = arith.muli %add3A_211, %mul3A_216 : i32
        %get3A_218 = arith.index_cast %mul3A_217 : i32 to index
        %get3A_219 = tpu.vector_load %arg8[%get3A_218] {strides = array<i32>} : memref<12000xi32, #tpu.memory_space<vmem>>, vector<16xi32>,
        %mul3A_220 = arith.constant 432 : i32
        %mul3A_221 = vector.broadcast %mul3A_220 : i32 to vector<16xi32>
        %mul3A_222 = arith.muli %get3A_215, %mul3A_221 : vector<16xi32>
        %add3A_223 = arith.addi %mul3A_222, %get3A_219 : vector<16xi32>
        %sub3A_224 = vector.broadcast %mul3A_2 : i32 to vector<16xi32>
        %sub3A_225 = arith.subi %add3A_223, %sub3A_224 : vector<16xi32>
        %ge3A_226 = arith.constant 0 : i32
        %ge3A_227 = vector.broadcast %ge3A_226 : i32 to vector<16xi32>
        %ge3A_228 = arith.cmpi sge, %sub3A_225, %ge3A_227 : vector<16xi32>
        %lt3A_229 = vector.broadcast %min3A_4 : i32 to vector<16xi32>
        %lt3A_230 = arith.cmpi slt, %sub3A_225, %lt3A_229 : vector<16xi32>
        %and3A_231 = arith.andi %ge3A_228, %lt3A_230 : vector<16xi1>
        %jit3A_232 = arith.constant 0 : i32
        %broadcast_in_dim3A_233 = vector.broadcast %jit3A_232 : i32 to vector<16xi32>
        %select_n3A_234 = arith.select %and3A_231, %sub3A_225, %broadcast_in_dim3A_233 : vector<16xi1>, vector<16xi32>
        %mul3A_235 = arith.constant 16 : i32
        %mul3A_236 = arith.muli %add3A_211, %mul3A_235 : i32
        %add3A_237 = arith.addi %mul3A_31, %mul3A_236 : i32
        %add3A_238 = vector.broadcast %add3A_237 : i32 to vector<16xi32>
        %add3A_239 = arith.addi %add3A_238, %iota3A : vector<16xi32>
        tpu.vector_store_idx %arg9[%select_n3A_234], %add3A_239 masked %and3A_231 : memref<6784xi32, #tpu.memory_space<vmem>>[vector<16xi32>], vector<16xi32>, vector<16xi1>
        tpu.vector_store_idx %arg10[%select_n3A_234], %get3A_23 masked %and3A_231 : memref<6784xf32, #tpu.memory_space<vmem>>[vector<16xi32>], vector<16xf32>, vector<16xi1>
        %mul3A_240 = arith.constant 10 : i32
        %mul3A_241 = arith.muli %scan3A_49, %mul3A_240 : i32
        %add3A_242 = arith.constant 6 : i32
        %add3A_243 = arith.addi %mul3A_241, %add3A_242 : i32
        %mul3A_244 = arith.constant 16 : i32
        %mul3A_245 = arith.muli %add3A_243, %mul3A_244 : i32
        %get3A_246 = arith.index_cast %mul3A_245 : i32 to index
        %get3A_247 = tpu.vector_load %arg7[%get3A_246] {strides = array<i32>} : memref<12000xi32, #tpu.memory_space<vmem>>, vector<16xi32>,
        %mul3A_248 = arith.constant 16 : i32
        %mul3A_249 = arith.muli %add3A_243, %mul3A_248 : i32
        %get3A_250 = arith.index_cast %mul3A_249 : i32 to index
        %get3A_251 = tpu.vector_load %arg8[%get3A_250] {strides = array<i32>} : memref<12000xi32, #tpu.memory_space<vmem>>, vector<16xi32>,
        %mul3A_252 = arith.constant 432 : i32
        %mul3A_253 = vector.broadcast %mul3A_252 : i32 to vector<16xi32>
        %mul3A_254 = arith.muli %get3A_247, %mul3A_253 : vector<16xi32>
        %add3A_255 = arith.addi %mul3A_254, %get3A_251 : vector<16xi32>
        %sub3A_256 = vector.broadcast %mul3A_2 : i32 to vector<16xi32>
        %sub3A_257 = arith.subi %add3A_255, %sub3A_256 : vector<16xi32>
        %ge3A_258 = arith.constant 0 : i32
        %ge3A_259 = vector.broadcast %ge3A_258 : i32 to vector<16xi32>
        %ge3A_260 = arith.cmpi sge, %sub3A_257, %ge3A_259 : vector<16xi32>
        %lt3A_261 = vector.broadcast %min3A_4 : i32 to vector<16xi32>
        %lt3A_262 = arith.cmpi slt, %sub3A_257, %lt3A_261 : vector<16xi32>
        %and3A_263 = arith.andi %ge3A_260, %lt3A_262 : vector<16xi1>
        %jit3A_264 = arith.constant 0 : i32
        %broadcast_in_dim3A_265 = vector.broadcast %jit3A_264 : i32 to vector<16xi32>
        %select_n3A_266 = arith.select %and3A_263, %sub3A_257, %broadcast_in_dim3A_265 : vector<16xi1>, vector<16xi32>
        %mul3A_267 = arith.constant 16 : i32
        %mul3A_268 = arith.muli %add3A_243, %mul3A_267 : i32
        %add3A_269 = arith.addi %mul3A_31, %mul3A_268 : i32
        %add3A_270 = vector.broadcast %add3A_269 : i32 to vector<16xi32>
        %add3A_271 = arith.addi %add3A_270, %iota3A : vector<16xi32>
        tpu.vector_store_idx %arg9[%select_n3A_266], %add3A_271 masked %and3A_263 : memref<6784xi32, #tpu.memory_space<vmem>>[vector<16xi32>], vector<16xi32>, vector<16xi1>
        tpu.vector_store_idx %arg10[%select_n3A_266], %get3A_23 masked %and3A_263 : memref<6784xf32, #tpu.memory_space<vmem>>[vector<16xi32>], vector<16xf32>, vector<16xi1>
        %mul3A_272 = arith.constant 10 : i32
        %mul3A_273 = arith.muli %scan3A_49, %mul3A_272 : i32
        %add3A_274 = arith.constant 7 : i32
        %add3A_275 = arith.addi %mul3A_273, %add3A_274 : i32
        %mul3A_276 = arith.constant 16 : i32
        %mul3A_277 = arith.muli %add3A_275, %mul3A_276 : i32
        %get3A_278 = arith.index_cast %mul3A_277 : i32 to index
        %get3A_279 = tpu.vector_load %arg7[%get3A_278] {strides = array<i32>} : memref<12000xi32, #tpu.memory_space<vmem>>, vector<16xi32>,
        %mul3A_280 = arith.constant 16 : i32
        %mul3A_281 = arith.muli %add3A_275, %mul3A_280 : i32
        %get3A_282 = arith.index_cast %mul3A_281 : i32 to index
        %get3A_283 = tpu.vector_load %arg8[%get3A_282] {strides = array<i32>} : memref<12000xi32, #tpu.memory_space<vmem>>, vector<16xi32>,
        %mul3A_284 = arith.constant 432 : i32
        %mul3A_285 = vector.broadcast %mul3A_284 : i32 to vector<16xi32>
        %mul3A_286 = arith.muli %get3A_279, %mul3A_285 : vector<16xi32>
        %add3A_287 = arith.addi %mul3A_286, %get3A_283 : vector<16xi32>
        %sub3A_288 = vector.broadcast %mul3A_2 : i32 to vector<16xi32>
        %sub3A_289 = arith.subi %add3A_287, %sub3A_288 : vector<16xi32>
        %ge3A_290 = arith.constant 0 : i32
        %ge3A_291 = vector.broadcast %ge3A_290 : i32 to vector<16xi32>
        %ge3A_292 = arith.cmpi sge, %sub3A_289, %ge3A_291 : vector<16xi32>
        %lt3A_293 = vector.broadcast %min3A_4 : i32 to vector<16xi32>
        %lt3A_294 = arith.cmpi slt, %sub3A_289, %lt3A_293 : vector<16xi32>
        %and3A_295 = arith.andi %ge3A_292, %lt3A_294 : vector<16xi1>
        %jit3A_296 = arith.constant 0 : i32
        %broadcast_in_dim3A_297 = vector.broadcast %jit3A_296 : i32 to vector<16xi32>
        %select_n3A_298 = arith.select %and3A_295, %sub3A_289, %broadcast_in_dim3A_297 : vector<16xi1>, vector<16xi32>
        %mul3A_299 = arith.constant 16 : i32
        %mul3A_300 = arith.muli %add3A_275, %mul3A_299 : i32
        %add3A_301 = arith.addi %mul3A_31, %mul3A_300 : i32
        %add3A_302 = vector.broadcast %add3A_301 : i32 to vector<16xi32>
        %add3A_303 = arith.addi %add3A_302, %iota3A : vector<16xi32>
        tpu.vector_store_idx %arg9[%select_n3A_298], %add3A_303 masked %and3A_295 : memref<6784xi32, #tpu.memory_space<vmem>>[vector<16xi32>], vector<16xi32>, vector<16xi1>
        tpu.vector_store_idx %arg10[%select_n3A_298], %get3A_23 masked %and3A_295 : memref<6784xf32, #tpu.memory_space<vmem>>[vector<16xi32>], vector<16xf32>, vector<16xi1>
        %mul3A_304 = arith.constant 10 : i32
        %mul3A_305 = arith.muli %scan3A_49, %mul3A_304 : i32
        %add3A_306 = arith.constant 8 : i32
        %add3A_307 = arith.addi %mul3A_305, %add3A_306 : i32
        %mul3A_308 = arith.constant 16 : i32
        %mul3A_309 = arith.muli %add3A_307, %mul3A_308 : i32
        %get3A_310 = arith.index_cast %mul3A_309 : i32 to index
        %get3A_311 = tpu.vector_load %arg7[%get3A_310] {strides = array<i32>} : memref<12000xi32, #tpu.memory_space<vmem>>, vector<16xi32>,
        %mul3A_312 = arith.constant 16 : i32
        %mul3A_313 = arith.muli %add3A_307, %mul3A_312 : i32
        %get3A_314 = arith.index_cast %mul3A_313 : i32 to index
        %get3A_315 = tpu.vector_load %arg8[%get3A_314] {strides = array<i32>} : memref<12000xi32, #tpu.memory_space<vmem>>, vector<16xi32>,
        %mul3A_316 = arith.constant 432 : i32
        %mul3A_317 = vector.broadcast %mul3A_316 : i32 to vector<16xi32>
        %mul3A_318 = arith.muli %get3A_311, %mul3A_317 : vector<16xi32>
        %add3A_319 = arith.addi %mul3A_318, %get3A_315 : vector<16xi32>
        %sub3A_320 = vector.broadcast %mul3A_2 : i32 to vector<16xi32>
        %sub3A_321 = arith.subi %add3A_319, %sub3A_320 : vector<16xi32>
        %ge3A_322 = arith.constant 0 : i32
        %ge3A_323 = vector.broadcast %ge3A_322 : i32 to vector<16xi32>
        %ge3A_324 = arith.cmpi sge, %sub3A_321, %ge3A_323 : vector<16xi32>
        %lt3A_325 = vector.broadcast %min3A_4 : i32 to vector<16xi32>
        %lt3A_326 = arith.cmpi slt, %sub3A_321, %lt3A_325 : vector<16xi32>
        %and3A_327 = arith.andi %ge3A_324, %lt3A_326 : vector<16xi1>
        %jit3A_328 = arith.constant 0 : i32
        %broadcast_in_dim3A_329 = vector.broadcast %jit3A_328 : i32 to vector<16xi32>
        %select_n3A_330 = arith.select %and3A_327, %sub3A_321, %broadcast_in_dim3A_329 : vector<16xi1>, vector<16xi32>
        %mul3A_331 = arith.constant 16 : i32
        %mul3A_332 = arith.muli %add3A_307, %mul3A_331 : i32
        %add3A_333 = arith.addi %mul3A_31, %mul3A_332 : i32
        %add3A_334 = vector.broadcast %add3A_333 : i32 to vector<16xi32>
        %add3A_335 = arith.addi %add3A_334, %iota3A : vector<16xi32>
        tpu.vector_store_idx %arg9[%select_n3A_330], %add3A_335 masked %and3A_327 : memref<6784xi32, #tpu.memory_space<vmem>>[vector<16xi32>], vector<16xi32>, vector<16xi1>
        tpu.vector_store_idx %arg10[%select_n3A_330], %get3A_23 masked %and3A_327 : memref<6784xf32, #tpu.memory_space<vmem>>[vector<16xi32>], vector<16xf32>, vector<16xi1>
        %mul3A_336 = arith.constant 10 : i32
        %mul3A_337 = arith.muli %scan3A_49, %mul3A_336 : i32
        %add3A_338 = arith.constant 9 : i32
        %add3A_339 = arith.addi %mul3A_337, %add3A_338 : i32
        %mul3A_340 = arith.constant 16 : i32
        %mul3A_341 = arith.muli %add3A_339, %mul3A_340 : i32
        %get3A_342 = arith.index_cast %mul3A_341 : i32 to index
        %get3A_343 = tpu.vector_load %arg7[%get3A_342] {strides = array<i32>} : memref<12000xi32, #tpu.memory_space<vmem>>, vector<16xi32>,
        %mul3A_344 = arith.constant 16 : i32
        %mul3A_345 = arith.muli %add3A_339, %mul3A_344 : i32
        %get3A_346 = arith.index_cast %mul3A_345 : i32 to index
        %get3A_347 = tpu.vector_load %arg8[%get3A_346] {strides = array<i32>} : memref<12000xi32, #tpu.memory_space<vmem>>, vector<16xi32>,
        %mul3A_348 = arith.constant 432 : i32
        %mul3A_349 = vector.broadcast %mul3A_348 : i32 to vector<16xi32>
        %mul3A_350 = arith.muli %get3A_343, %mul3A_349 : vector<16xi32>
        %add3A_351 = arith.addi %mul3A_350, %get3A_347 : vector<16xi32>
        %sub3A_352 = vector.broadcast %mul3A_2 : i32 to vector<16xi32>
        %sub3A_353 = arith.subi %add3A_351, %sub3A_352 : vector<16xi32>
        %ge3A_354 = arith.constant 0 : i32
        %ge3A_355 = vector.broadcast %ge3A_354 : i32 to vector<16xi32>
        %ge3A_356 = arith.cmpi sge, %sub3A_353, %ge3A_355 : vector<16xi32>
        %lt3A_357 = vector.broadcast %min3A_4 : i32 to vector<16xi32>
        %lt3A_358 = arith.cmpi slt, %sub3A_353, %lt3A_357 : vector<16xi32>
        %and3A_359 = arith.andi %ge3A_356, %lt3A_358 : vector<16xi1>
        %jit3A_360 = arith.constant 0 : i32
        %broadcast_in_dim3A_361 = vector.broadcast %jit3A_360 : i32 to vector<16xi32>
        %select_n3A_362 = arith.select %and3A_359, %sub3A_353, %broadcast_in_dim3A_361 : vector<16xi1>, vector<16xi32>
        %mul3A_363 = arith.constant 16 : i32
        %mul3A_364 = arith.muli %add3A_339, %mul3A_363 : i32
        %add3A_365 = arith.addi %mul3A_31, %mul3A_364 : i32
        %add3A_366 = vector.broadcast %add3A_365 : i32 to vector<16xi32>
        %add3A_367 = arith.addi %add3A_366, %iota3A : vector<16xi32>
        tpu.vector_store_idx %arg9[%select_n3A_362], %add3A_367 masked %and3A_359 : memref<6784xi32, #tpu.memory_space<vmem>>[vector<16xi32>], vector<16xi32>, vector<16xi1>
        tpu.vector_store_idx %arg10[%select_n3A_362], %get3A_23 masked %and3A_359 : memref<6784xf32, #tpu.memory_space<vmem>>[vector<16xi32>], vector<16xf32>, vector<16xi1>
      }
      %scan3A_39 = arith.constant 75 : i32
      %while3A = arith.constant 0 : i32
      %while3A_40 = arith.constant 0 : i32
      %while3A_41 = arith.subi %select_n3A, %while3A_40 : i32
      %while3A_42 = arith.addi %while3A_40, %while3A_41 : i32
      %while3A_43 = arith.constant 1 : i32
      %while3A_44 = arith.divsi %while3A_41, %while3A_43 : i32
      %while3A_45 = arith.muli %while3A_44, %while3A_43 : i32
      %while3A_46 = arith.addi %while3A_40, %while3A_45 : i32
      %while3A_47 = arith.constant 1 : i32
      scf.for %while3A_49 = %while3A_40 to %while3A_46 step %while3A_47  : i32 {
        %mul3A_50 = arith.constant 128 : i32
        %mul3A_51 = arith.muli %while3A_49, %mul3A_50 : i32
        %dma_start3A = tpu.memref_slice %arg9[%mul3A_51] : memref<6784xi32, #tpu.memory_space<vmem>> -> memref<128xi32, #tpu.memory_space<vmem>>
        %dma_start3A_52 = arith.constant 0 : i32
        %dma_start3A_53 = arith.constant 0 : i32
        %dma_start3A_54 = tpu.memref_slice %arg2[%dma_start3A_52, %dma_start3A_53] : memref<48000x64xf32, #tpu.memory_space<hbm>> -> memref<48000x64xf32, #tpu.memory_space<hbm>>
        tpu.enqueue_indirect_dma source(%dma_start3A_54 : memref<48000x64xf32, #tpu.memory_space<hbm>>) target(%arg11 : memref<128x64xf32, #tpu.memory_space<vmem>>) offsets(%dma_start3A : memref<128xi32, #tpu.memory_space<vmem>>) semaphore(%arg14 : memref<!tpu.dma_semaphore, #tpu.memory_space<semaphore_mem>>)
        %dma_wait3A = tpu.memref_slice %arg9[%mul3A_51] : memref<6784xi32, #tpu.memory_space<vmem>> -> memref<128xi32, #tpu.memory_space<vmem>>
        %dma_wait3A_55 = arith.constant 0 : i32
        %dma_wait3A_56 = arith.constant 0 : i32
        %dma_wait3A_57 = tpu.memref_slice %arg2[%dma_wait3A_55, %dma_wait3A_56] : memref<48000x64xf32, #tpu.memory_space<hbm>> -> memref<48000x64xf32, #tpu.memory_space<hbm>>
        tpu.wait_indirect_dma semaphore(%arg14 : memref<!tpu.dma_semaphore, #tpu.memory_space<semaphore_mem>>) src(%dma_wait3A_57 : memref<48000x64xf32, #tpu.memory_space<hbm>>) dst(%arg11 : memref<128x64xf32, #tpu.memory_space<vmem>>)
        %add3A_58 = arith.constant 0 : i32
        %add3A_59 = vector.broadcast %add3A_58 : i32 to vector<16xi32>
        %add3A_60 = arith.addi %add3A_59, %iota3A : vector<16xi32>
        %add3A_61 = arith.constant 16 : i32
        %add3A_62 = vector.broadcast %add3A_61 : i32 to vector<16xi32>
        %add3A_63 = arith.addi %add3A_62, %iota3A : vector<16xi32>
        %add3A_64 = arith.constant 32 : i32
        %add3A_65 = vector.broadcast %add3A_64 : i32 to vector<16xi32>
        %add3A_66 = arith.addi %add3A_65, %iota3A : vector<16xi32>
        %add3A_67 = arith.constant 48 : i32
        %add3A_68 = vector.broadcast %add3A_67 : i32 to vector<16xi32>
        %add3A_69 = arith.addi %add3A_68, %iota3A : vector<16xi32>
        %add3A_70 = arith.constant 64 : i32
        %add3A_71 = vector.broadcast %add3A_70 : i32 to vector<16xi32>
        %add3A_72 = arith.addi %add3A_71, %iota3A : vector<16xi32>
        %add3A_73 = arith.constant 80 : i32
        %add3A_74 = vector.broadcast %add3A_73 : i32 to vector<16xi32>
        %add3A_75 = arith.addi %add3A_74, %iota3A : vector<16xi32>
        %add3A_76 = arith.constant 96 : i32
        %add3A_77 = vector.broadcast %add3A_76 : i32 to vector<16xi32>
        %add3A_78 = arith.addi %add3A_77, %iota3A : vector<16xi32>
        %add3A_79 = arith.constant 112 : i32
        %add3A_80 = vector.broadcast %add3A_79 : i32 to vector<16xi32>
        %add3A_81 = arith.addi %add3A_80, %iota3A : vector<16xi32>
        %mul3A_82 = arith.constant 128 : i32
        %mul3A_83 = arith.muli %while3A_49, %mul3A_82 : i32
        %add3A_84 = arith.constant 0 : i32
        %add3A_85 = arith.addi %mul3A_83, %add3A_84 : i32
        %get3A_86 = arith.index_cast %add3A_85 : i32 to index
        %get3A_87 = tpu.vector_load %arg10[%get3A_86] {strides = array<i32>} : memref<6784xf32, #tpu.memory_space<vmem>>, vector<16xf32>,
        %mul3A_88 = arith.constant 128 : i32
        %mul3A_89 = arith.muli %while3A_49, %mul3A_88 : i32
        %add3A_90 = arith.constant 16 : i32
        %add3A_91 = arith.addi %mul3A_89, %add3A_90 : i32
        %get3A_92 = arith.index_cast %add3A_91 : i32 to index
        %get3A_93 = tpu.vector_load %arg10[%get3A_92] {strides = array<i32>} : memref<6784xf32, #tpu.memory_space<vmem>>, vector<16xf32>,
        %mul3A_94 = arith.constant 128 : i32
        %mul3A_95 = arith.muli %while3A_49, %mul3A_94 : i32
        %add3A_96 = arith.constant 32 : i32
        %add3A_97 = arith.addi %mul3A_95, %add3A_96 : i32
        %get3A_98 = arith.index_cast %add3A_97 : i32 to index
        %get3A_99 = tpu.vector_load %arg10[%get3A_98] {strides = array<i32>} : memref<6784xf32, #tpu.memory_space<vmem>>, vector<16xf32>,
        %mul3A_100 = arith.constant 128 : i32
        %mul3A_101 = arith.muli %while3A_49, %mul3A_100 : i32
        %add3A_102 = arith.constant 48 : i32
        %add3A_103 = arith.addi %mul3A_101, %add3A_102 : i32
        %get3A_104 = arith.index_cast %add3A_103 : i32 to index
        %get3A_105 = tpu.vector_load %arg10[%get3A_104] {strides = array<i32>} : memref<6784xf32, #tpu.memory_space<vmem>>, vector<16xf32>,
        %mul3A_106 = arith.constant 128 : i32
        %mul3A_107 = arith.muli %while3A_49, %mul3A_106 : i32
        %add3A_108 = arith.constant 64 : i32
        %add3A_109 = arith.addi %mul3A_107, %add3A_108 : i32
        %get3A_110 = arith.index_cast %add3A_109 : i32 to index
        %get3A_111 = tpu.vector_load %arg10[%get3A_110] {strides = array<i32>} : memref<6784xf32, #tpu.memory_space<vmem>>, vector<16xf32>,
        %mul3A_112 = arith.constant 128 : i32
        %mul3A_113 = arith.muli %while3A_49, %mul3A_112 : i32
        %add3A_114 = arith.constant 80 : i32
        %add3A_115 = arith.addi %mul3A_113, %add3A_114 : i32
        %get3A_116 = arith.index_cast %add3A_115 : i32 to index
        %get3A_117 = tpu.vector_load %arg10[%get3A_116] {strides = array<i32>} : memref<6784xf32, #tpu.memory_space<vmem>>, vector<16xf32>,
        %mul3A_118 = arith.constant 128 : i32
        %mul3A_119 = arith.muli %while3A_49, %mul3A_118 : i32
        %add3A_120 = arith.constant 96 : i32
        %add3A_121 = arith.addi %mul3A_119, %add3A_120 : i32
        %get3A_122 = arith.index_cast %add3A_121 : i32 to index
        %get3A_123 = tpu.vector_load %arg10[%get3A_122] {strides = array<i32>} : memref<6784xf32, #tpu.memory_space<vmem>>, vector<16xf32>,
        %mul3A_124 = arith.constant 128 : i32
        %mul3A_125 = arith.muli %while3A_49, %mul3A_124 : i32
        %add3A_126 = arith.constant 112 : i32
        %add3A_127 = arith.addi %mul3A_125, %add3A_126 : i32
        %get3A_128 = arith.index_cast %add3A_127 : i32 to index
        %get3A_129 = tpu.vector_load %arg10[%get3A_128] {strides = array<i32>} : memref<6784xf32, #tpu.memory_space<vmem>>, vector<16xf32>,
        %parallel_loop3A_130 = arith.constant 0 : i32
        %parallel_loop3A_131 = arith.constant 64 : i32
        %parallel_loop3A_132 = arith.constant 1 : i32
        scf.for %parallel_loop3A_136 = %parallel_loop3A_130 to %parallel_loop3A_131 step %parallel_loop3A_132  : i32 {
          %parallel_loop3A_137 = vector.broadcast %parallel_loop3A_136 : i32 to vector<16xi32>
          %parallel_loop3A_138 = tpu.vector_load_idx %arg11[%add3A_60, %parallel_loop3A_137] : memref<128x64xf32, #tpu.memory_space<vmem>>[vector<16xi32>, vector<16xi32>], vector<16xf32>,
          %parallel_loop3A_139 = arith.mulf %parallel_loop3A_138, %get3A_87 : vector<16xf32>
          %parallel_loop3A_140 = arith.index_cast %parallel_loop3A_136 : i32 to index
          %parallel_loop3A_141 = arith.constant 0 : index
          %parallel_loop3A_142 = tpu.vector_load %arg12[%parallel_loop3A_140, %parallel_loop3A_141] {strides = array<i32>} : memref<64x128xf32, #tpu.memory_space<vmem>>, vector<16xf32>,
          tpu.vector_store %arg12[%parallel_loop3A_140, %parallel_loop3A_141], %parallel_loop3A_139 {strides = array<i32>} : memref<64x128xf32, #tpu.memory_space<vmem>>, vector<16xf32>,
          %parallel_loop3A_143 = tpu.vector_load_idx %arg11[%add3A_63, %parallel_loop3A_137] : memref<128x64xf32, #tpu.memory_space<vmem>>[vector<16xi32>, vector<16xi32>], vector<16xf32>,
          %parallel_loop3A_144 = arith.mulf %parallel_loop3A_143, %get3A_93 : vector<16xf32>
          %parallel_loop3A_145 = arith.index_cast %parallel_loop3A_136 : i32 to index
          %parallel_loop3A_146 = arith.constant 16 : index
          %parallel_loop3A_147 = tpu.vector_load %arg12[%parallel_loop3A_145, %parallel_loop3A_146] {strides = array<i32>} : memref<64x128xf32, #tpu.memory_space<vmem>>, vector<16xf32>,
          tpu.vector_store %arg12[%parallel_loop3A_145, %parallel_loop3A_146], %parallel_loop3A_144 {strides = array<i32>} : memref<64x128xf32, #tpu.memory_space<vmem>>, vector<16xf32>,
          %parallel_loop3A_148 = tpu.vector_load_idx %arg11[%add3A_66, %parallel_loop3A_137] : memref<128x64xf32, #tpu.memory_space<vmem>>[vector<16xi32>, vector<16xi32>], vector<16xf32>,
          %parallel_loop3A_149 = arith.mulf %parallel_loop3A_148, %get3A_99 : vector<16xf32>
          %parallel_loop3A_150 = arith.index_cast %parallel_loop3A_136 : i32 to index
          %parallel_loop3A_151 = arith.constant 32 : index
          %parallel_loop3A_152 = tpu.vector_load %arg12[%parallel_loop3A_150, %parallel_loop3A_151] {strides = array<i32>} : memref<64x128xf32, #tpu.memory_space<vmem>>, vector<16xf32>,
          tpu.vector_store %arg12[%parallel_loop3A_150, %parallel_loop3A_151], %parallel_loop3A_149 {strides = array<i32>} : memref<64x128xf32, #tpu.memory_space<vmem>>, vector<16xf32>,
          %parallel_loop3A_153 = tpu.vector_load_idx %arg11[%add3A_69, %parallel_loop3A_137] : memref<128x64xf32, #tpu.memory_space<vmem>>[vector<16xi32>, vector<16xi32>], vector<16xf32>,
          %parallel_loop3A_154 = arith.mulf %parallel_loop3A_153, %get3A_105 : vector<16xf32>
          %parallel_loop3A_155 = arith.index_cast %parallel_loop3A_136 : i32 to index
          %parallel_loop3A_156 = arith.constant 48 : index
          %parallel_loop3A_157 = tpu.vector_load %arg12[%parallel_loop3A_155, %parallel_loop3A_156] {strides = array<i32>} : memref<64x128xf32, #tpu.memory_space<vmem>>, vector<16xf32>,
          tpu.vector_store %arg12[%parallel_loop3A_155, %parallel_loop3A_156], %parallel_loop3A_154 {strides = array<i32>} : memref<64x128xf32, #tpu.memory_space<vmem>>, vector<16xf32>,
          %parallel_loop3A_158 = tpu.vector_load_idx %arg11[%add3A_72, %parallel_loop3A_137] : memref<128x64xf32, #tpu.memory_space<vmem>>[vector<16xi32>, vector<16xi32>], vector<16xf32>,
          %parallel_loop3A_159 = arith.mulf %parallel_loop3A_158, %get3A_111 : vector<16xf32>
          %parallel_loop3A_160 = arith.index_cast %parallel_loop3A_136 : i32 to index
          %parallel_loop3A_161 = arith.constant 64 : index
          %parallel_loop3A_162 = tpu.vector_load %arg12[%parallel_loop3A_160, %parallel_loop3A_161] {strides = array<i32>} : memref<64x128xf32, #tpu.memory_space<vmem>>, vector<16xf32>,
          tpu.vector_store %arg12[%parallel_loop3A_160, %parallel_loop3A_161], %parallel_loop3A_159 {strides = array<i32>} : memref<64x128xf32, #tpu.memory_space<vmem>>, vector<16xf32>,
          %parallel_loop3A_163 = tpu.vector_load_idx %arg11[%add3A_75, %parallel_loop3A_137] : memref<128x64xf32, #tpu.memory_space<vmem>>[vector<16xi32>, vector<16xi32>], vector<16xf32>,
          %parallel_loop3A_164 = arith.mulf %parallel_loop3A_163, %get3A_117 : vector<16xf32>
          %parallel_loop3A_165 = arith.index_cast %parallel_loop3A_136 : i32 to index
          %parallel_loop3A_166 = arith.constant 80 : index
          %parallel_loop3A_167 = tpu.vector_load %arg12[%parallel_loop3A_165, %parallel_loop3A_166] {strides = array<i32>} : memref<64x128xf32, #tpu.memory_space<vmem>>, vector<16xf32>,
          tpu.vector_store %arg12[%parallel_loop3A_165, %parallel_loop3A_166], %parallel_loop3A_164 {strides = array<i32>} : memref<64x128xf32, #tpu.memory_space<vmem>>, vector<16xf32>,
          %parallel_loop3A_168 = tpu.vector_load_idx %arg11[%add3A_78, %parallel_loop3A_137] : memref<128x64xf32, #tpu.memory_space<vmem>>[vector<16xi32>, vector<16xi32>], vector<16xf32>,
          %parallel_loop3A_169 = arith.mulf %parallel_loop3A_168, %get3A_123 : vector<16xf32>
          %parallel_loop3A_170 = arith.index_cast %parallel_loop3A_136 : i32 to index
          %parallel_loop3A_171 = arith.constant 96 : index
          %parallel_loop3A_172 = tpu.vector_load %arg12[%parallel_loop3A_170, %parallel_loop3A_171] {strides = array<i32>} : memref<64x128xf32, #tpu.memory_space<vmem>>, vector<16xf32>,
          tpu.vector_store %arg12[%parallel_loop3A_170, %parallel_loop3A_171], %parallel_loop3A_169 {strides = array<i32>} : memref<64x128xf32, #tpu.memory_space<vmem>>, vector<16xf32>,
          %parallel_loop3A_173 = tpu.vector_load_idx %arg11[%add3A_81, %parallel_loop3A_137] : memref<128x64xf32, #tpu.memory_space<vmem>>[vector<16xi32>, vector<16xi32>], vector<16xf32>,
          %parallel_loop3A_174 = arith.mulf %parallel_loop3A_173, %get3A_129 : vector<16xf32>
          %parallel_loop3A_175 = arith.index_cast %parallel_loop3A_136 : i32 to index
          %parallel_loop3A_176 = arith.constant 112 : index
          %parallel_loop3A_177 = tpu.vector_load %arg12[%parallel_loop3A_175, %parallel_loop3A_176] {strides = array<i32>} : memref<64x128xf32, #tpu.memory_space<vmem>>, vector<16xf32>,
          tpu.vector_store %arg12[%parallel_loop3A_175, %parallel_loop3A_176], %parallel_loop3A_174 {strides = array<i32>} : memref<64x128xf32, #tpu.memory_space<vmem>>, vector<16xf32>,
        } {sc.loop_unroll_factor = 4 : i64, sc.parallel_access}
        %mul3A_133 = arith.constant 128 : i32
        %mul3A_134 = arith.muli %while3A_49, %mul3A_133 : i32
        %add3A_135 = arith.addi %mul3A_2, %mul3A_134 : i32
        "tpu.region"() ({
          %run_scoped3A = tpu.sem_alloc : memref<!tpu.dma_semaphore, #tpu.memory_space<semaphore_mem>>
          %dma_start3A_136 = arith.constant 0 : i32
          %dma_start3A_137 = tpu.memref_slice %arg6[%scan3A_29, %dma_start3A_136, %add3A_135] : memref<4x64x214272xf32, #tpu.memory_space<hbm>> -> memref<1x64x128xf32, #tpu.memory_space<hbm>>
          %dma_start3A_138 = tpu.memref_squeeze %dma_start3A_137 : memref<1x64x128xf32, #tpu.memory_space<hbm>> -> memref<64x128xf32, #tpu.memory_space<hbm>>
          %dma_start3A_139 = arith.constant 0 : i32
          %dma_start3A_140 = tpu.memref_slice %arg6[%scan3A_29, %dma_start3A_139, %add3A_135] : memref<4x64x214272xf32, #tpu.memory_space<hbm>> -> memref<1x64x128xf32, #tpu.memory_space<hbm>>
          %dma_start3A_141 = tpu.memref_squeeze %dma_start3A_140 : memref<1x64x128xf32, #tpu.memory_space<hbm>> -> memref<64x128xf32, #tpu.memory_space<hbm>>
          tpu.enqueue_dma source(%arg12 : memref<64x128xf32, #tpu.memory_space<vmem>>) target(%dma_start3A_141 : memref<64x128xf32, #tpu.memory_space<hbm>>) target_semaphore(%run_scoped3A : memref<!tpu.dma_semaphore, #tpu.memory_space<semaphore_mem>>)
          %dma_wait3A_142 = arith.constant 0 : i32
          %dma_wait3A_143 = tpu.memref_slice %arg6[%scan3A_29, %dma_wait3A_142, %add3A_135] : memref<4x64x214272xf32, #tpu.memory_space<hbm>> -> memref<1x64x128xf32, #tpu.memory_space<hbm>>
          %dma_wait3A_144 = tpu.memref_squeeze %dma_wait3A_143 : memref<1x64x128xf32, #tpu.memory_space<hbm>> -> memref<64x128xf32, #tpu.memory_space<hbm>>
          %dma_wait3A_145 = arith.constant 0 : i32
          %dma_wait3A_146 = tpu.memref_slice %arg6[%scan3A_29, %dma_wait3A_145, %add3A_135] : memref<4x64x214272xf32, #tpu.memory_space<hbm>> -> memref<1x64x128xf32, #tpu.memory_space<hbm>>
          %dma_wait3A_147 = tpu.memref_squeeze %dma_wait3A_146 : memref<1x64x128xf32, #tpu.memory_space<hbm>> -> memref<64x128xf32, #tpu.memory_space<hbm>>
          tpu.wait_dma2 semaphore(%run_scoped3A : memref<!tpu.dma_semaphore, #tpu.memory_space<semaphore_mem>>) src(%arg12 : memref<64x128xf32, #tpu.memory_space<vmem>>) dst(%dma_wait3A_147 : memref<64x128xf32, #tpu.memory_space<hbm>>)
          tpu.yield
        }) : () -> ()
      }
      %while3A_48 = arith.constant 1 : i32
      scf.for %while3A_49 = %while3A_46 to %while3A_42 step %while3A_48  : i32 {
        %mul3A_50 = arith.constant 128 : i32
        %mul3A_51 = arith.muli %while3A_49, %mul3A_50 : i32
        %dma_start3A = tpu.memref_slice %arg9[%mul3A_51] : memref<6784xi32, #tpu.memory_space<vmem>> -> memref<128xi32, #tpu.memory_space<vmem>>
        %dma_start3A_52 = arith.constant 0 : i32
        %dma_start3A_53 = arith.constant 0 : i32
        %dma_start3A_54 = tpu.memref_slice %arg2[%dma_start3A_52, %dma_start3A_53] : memref<48000x64xf32, #tpu.memory_space<hbm>> -> memref<48000x64xf32, #tpu.memory_space<hbm>>
        tpu.enqueue_indirect_dma source(%dma_start3A_54 : memref<48000x64xf32, #tpu.memory_space<hbm>>) target(%arg11 : memref<128x64xf32, #tpu.memory_space<vmem>>) offsets(%dma_start3A : memref<128xi32, #tpu.memory_space<vmem>>) semaphore(%arg14 : memref<!tpu.dma_semaphore, #tpu.memory_space<semaphore_mem>>)
        %dma_wait3A = tpu.memref_slice %arg9[%mul3A_51] : memref<6784xi32, #tpu.memory_space<vmem>> -> memref<128xi32, #tpu.memory_space<vmem>>
        %dma_wait3A_55 = arith.constant 0 : i32
        %dma_wait3A_56 = arith.constant 0 : i32
        %dma_wait3A_57 = tpu.memref_slice %arg2[%dma_wait3A_55, %dma_wait3A_56] : memref<48000x64xf32, #tpu.memory_space<hbm>> -> memref<48000x64xf32, #tpu.memory_space<hbm>>
        tpu.wait_indirect_dma semaphore(%arg14 : memref<!tpu.dma_semaphore, #tpu.memory_space<semaphore_mem>>) src(%dma_wait3A_57 : memref<48000x64xf32, #tpu.memory_space<hbm>>) dst(%arg11 : memref<128x64xf32, #tpu.memory_space<vmem>>)
        %add3A_58 = arith.constant 0 : i32
        %add3A_59 = vector.broadcast %add3A_58 : i32 to vector<16xi32>
        %add3A_60 = arith.addi %add3A_59, %iota3A : vector<16xi32>
        %add3A_61 = arith.constant 16 : i32
        %add3A_62 = vector.broadcast %add3A_61 : i32 to vector<16xi32>
        %add3A_63 = arith.addi %add3A_62, %iota3A : vector<16xi32>
        %add3A_64 = arith.constant 32 : i32
        %add3A_65 = vector.broadcast %add3A_64 : i32 to vector<16xi32>
        %add3A_66 = arith.addi %add3A_65, %iota3A : vector<16xi32>
        %add3A_67 = arith.constant 48 : i32
        %add3A_68 = vector.broadcast %add3A_67 : i32 to vector<16xi32>
        %add3A_69 = arith.addi %add3A_68, %iota3A : vector<16xi32>
        %add3A_70 = arith.constant 64 : i32
        %add3A_71 = vector.broadcast %add3A_70 : i32 to vector<16xi32>
        %add3A_72 = arith.addi %add3A_71, %iota3A : vector<16xi32>
        %add3A_73 = arith.constant 80 : i32
        %add3A_74 = vector.broadcast %add3A_73 : i32 to vector<16xi32>
        %add3A_75 = arith.addi %add3A_74, %iota3A : vector<16xi32>
        %add3A_76 = arith.constant 96 : i32
        %add3A_77 = vector.broadcast %add3A_76 : i32 to vector<16xi32>
        %add3A_78 = arith.addi %add3A_77, %iota3A : vector<16xi32>
        %add3A_79 = arith.constant 112 : i32
        %add3A_80 = vector.broadcast %add3A_79 : i32 to vector<16xi32>
        %add3A_81 = arith.addi %add3A_80, %iota3A : vector<16xi32>
        %mul3A_82 = arith.constant 128 : i32
        %mul3A_83 = arith.muli %while3A_49, %mul3A_82 : i32
        %add3A_84 = arith.constant 0 : i32
        %add3A_85 = arith.addi %mul3A_83, %add3A_84 : i32
        %get3A_86 = arith.index_cast %add3A_85 : i32 to index
        %get3A_87 = tpu.vector_load %arg10[%get3A_86] {strides = array<i32>} : memref<6784xf32, #tpu.memory_space<vmem>>, vector<16xf32>,
        %mul3A_88 = arith.constant 128 : i32
        %mul3A_89 = arith.muli %while3A_49, %mul3A_88 : i32
        %add3A_90 = arith.constant 16 : i32
        %add3A_91 = arith.addi %mul3A_89, %add3A_90 : i32
        %get3A_92 = arith.index_cast %add3A_91 : i32 to index
        %get3A_93 = tpu.vector_load %arg10[%get3A_92] {strides = array<i32>} : memref<6784xf32, #tpu.memory_space<vmem>>, vector<16xf32>,
        %mul3A_94 = arith.constant 128 : i32
        %mul3A_95 = arith.muli %while3A_49, %mul3A_94 : i32
        %add3A_96 = arith.constant 32 : i32
        %add3A_97 = arith.addi %mul3A_95, %add3A_96 : i32
        %get3A_98 = arith.index_cast %add3A_97 : i32 to index
        %get3A_99 = tpu.vector_load %arg10[%get3A_98] {strides = array<i32>} : memref<6784xf32, #tpu.memory_space<vmem>>, vector<16xf32>,
        %mul3A_100 = arith.constant 128 : i32
        %mul3A_101 = arith.muli %while3A_49, %mul3A_100 : i32
        %add3A_102 = arith.constant 48 : i32
        %add3A_103 = arith.addi %mul3A_101, %add3A_102 : i32
        %get3A_104 = arith.index_cast %add3A_103 : i32 to index
        %get3A_105 = tpu.vector_load %arg10[%get3A_104] {strides = array<i32>} : memref<6784xf32, #tpu.memory_space<vmem>>, vector<16xf32>,
        %mul3A_106 = arith.constant 128 : i32
        %mul3A_107 = arith.muli %while3A_49, %mul3A_106 : i32
        %add3A_108 = arith.constant 64 : i32
        %add3A_109 = arith.addi %mul3A_107, %add3A_108 : i32
        %get3A_110 = arith.index_cast %add3A_109 : i32 to index
        %get3A_111 = tpu.vector_load %arg10[%get3A_110] {strides = array<i32>} : memref<6784xf32, #tpu.memory_space<vmem>>, vector<16xf32>,
        %mul3A_112 = arith.constant 128 : i32
        %mul3A_113 = arith.muli %while3A_49, %mul3A_112 : i32
        %add3A_114 = arith.constant 80 : i32
        %add3A_115 = arith.addi %mul3A_113, %add3A_114 : i32
        %get3A_116 = arith.index_cast %add3A_115 : i32 to index
        %get3A_117 = tpu.vector_load %arg10[%get3A_116] {strides = array<i32>} : memref<6784xf32, #tpu.memory_space<vmem>>, vector<16xf32>,
        %mul3A_118 = arith.constant 128 : i32
        %mul3A_119 = arith.muli %while3A_49, %mul3A_118 : i32
        %add3A_120 = arith.constant 96 : i32
        %add3A_121 = arith.addi %mul3A_119, %add3A_120 : i32
        %get3A_122 = arith.index_cast %add3A_121 : i32 to index
        %get3A_123 = tpu.vector_load %arg10[%get3A_122] {strides = array<i32>} : memref<6784xf32, #tpu.memory_space<vmem>>, vector<16xf32>,
        %mul3A_124 = arith.constant 128 : i32
        %mul3A_125 = arith.muli %while3A_49, %mul3A_124 : i32
        %add3A_126 = arith.constant 112 : i32
        %add3A_127 = arith.addi %mul3A_125, %add3A_126 : i32
        %get3A_128 = arith.index_cast %add3A_127 : i32 to index
        %get3A_129 = tpu.vector_load %arg10[%get3A_128] {strides = array<i32>} : memref<6784xf32, #tpu.memory_space<vmem>>, vector<16xf32>,
        %parallel_loop3A_130 = arith.constant 0 : i32
        %parallel_loop3A_131 = arith.constant 64 : i32
        %parallel_loop3A_132 = arith.constant 1 : i32
        scf.for %parallel_loop3A_136 = %parallel_loop3A_130 to %parallel_loop3A_131 step %parallel_loop3A_132  : i32 {
          %parallel_loop3A_137 = vector.broadcast %parallel_loop3A_136 : i32 to vector<16xi32>
          %parallel_loop3A_138 = tpu.vector_load_idx %arg11[%add3A_60, %parallel_loop3A_137] : memref<128x64xf32, #tpu.memory_space<vmem>>[vector<16xi32>, vector<16xi32>], vector<16xf32>,
          %parallel_loop3A_139 = arith.mulf %parallel_loop3A_138, %get3A_87 : vector<16xf32>
          %parallel_loop3A_140 = arith.index_cast %parallel_loop3A_136 : i32 to index
          %parallel_loop3A_141 = arith.constant 0 : index
          %parallel_loop3A_142 = tpu.vector_load %arg12[%parallel_loop3A_140, %parallel_loop3A_141] {strides = array<i32>} : memref<64x128xf32, #tpu.memory_space<vmem>>, vector<16xf32>,
          tpu.vector_store %arg12[%parallel_loop3A_140, %parallel_loop3A_141], %parallel_loop3A_139 {strides = array<i32>} : memref<64x128xf32, #tpu.memory_space<vmem>>, vector<16xf32>,
          %parallel_loop3A_143 = tpu.vector_load_idx %arg11[%add3A_63, %parallel_loop3A_137] : memref<128x64xf32, #tpu.memory_space<vmem>>[vector<16xi32>, vector<16xi32>], vector<16xf32>,
          %parallel_loop3A_144 = arith.mulf %parallel_loop3A_143, %get3A_93 : vector<16xf32>
          %parallel_loop3A_145 = arith.index_cast %parallel_loop3A_136 : i32 to index
          %parallel_loop3A_146 = arith.constant 16 : index
          %parallel_loop3A_147 = tpu.vector_load %arg12[%parallel_loop3A_145, %parallel_loop3A_146] {strides = array<i32>} : memref<64x128xf32, #tpu.memory_space<vmem>>, vector<16xf32>,
          tpu.vector_store %arg12[%parallel_loop3A_145, %parallel_loop3A_146], %parallel_loop3A_144 {strides = array<i32>} : memref<64x128xf32, #tpu.memory_space<vmem>>, vector<16xf32>,
          %parallel_loop3A_148 = tpu.vector_load_idx %arg11[%add3A_66, %parallel_loop3A_137] : memref<128x64xf32, #tpu.memory_space<vmem>>[vector<16xi32>, vector<16xi32>], vector<16xf32>,
          %parallel_loop3A_149 = arith.mulf %parallel_loop3A_148, %get3A_99 : vector<16xf32>
          %parallel_loop3A_150 = arith.index_cast %parallel_loop3A_136 : i32 to index
          %parallel_loop3A_151 = arith.constant 32 : index
          %parallel_loop3A_152 = tpu.vector_load %arg12[%parallel_loop3A_150, %parallel_loop3A_151] {strides = array<i32>} : memref<64x128xf32, #tpu.memory_space<vmem>>, vector<16xf32>,
          tpu.vector_store %arg12[%parallel_loop3A_150, %parallel_loop3A_151], %parallel_loop3A_149 {strides = array<i32>} : memref<64x128xf32, #tpu.memory_space<vmem>>, vector<16xf32>,
          %parallel_loop3A_153 = tpu.vector_load_idx %arg11[%add3A_69, %parallel_loop3A_137] : memref<128x64xf32, #tpu.memory_space<vmem>>[vector<16xi32>, vector<16xi32>], vector<16xf32>,
          %parallel_loop3A_154 = arith.mulf %parallel_loop3A_153, %get3A_105 : vector<16xf32>
          %parallel_loop3A_155 = arith.index_cast %parallel_loop3A_136 : i32 to index
          %parallel_loop3A_156 = arith.constant 48 : index
          %parallel_loop3A_157 = tpu.vector_load %arg12[%parallel_loop3A_155, %parallel_loop3A_156] {strides = array<i32>} : memref<64x128xf32, #tpu.memory_space<vmem>>, vector<16xf32>,
          tpu.vector_store %arg12[%parallel_loop3A_155, %parallel_loop3A_156], %parallel_loop3A_154 {strides = array<i32>} : memref<64x128xf32, #tpu.memory_space<vmem>>, vector<16xf32>,
          %parallel_loop3A_158 = tpu.vector_load_idx %arg11[%add3A_72, %parallel_loop3A_137] : memref<128x64xf32, #tpu.memory_space<vmem>>[vector<16xi32>, vector<16xi32>], vector<16xf32>,
          %parallel_loop3A_159 = arith.mulf %parallel_loop3A_158, %get3A_111 : vector<16xf32>
          %parallel_loop3A_160 = arith.index_cast %parallel_loop3A_136 : i32 to index
          %parallel_loop3A_161 = arith.constant 64 : index
          %parallel_loop3A_162 = tpu.vector_load %arg12[%parallel_loop3A_160, %parallel_loop3A_161] {strides = array<i32>} : memref<64x128xf32, #tpu.memory_space<vmem>>, vector<16xf32>,
          tpu.vector_store %arg12[%parallel_loop3A_160, %parallel_loop3A_161], %parallel_loop3A_159 {strides = array<i32>} : memref<64x128xf32, #tpu.memory_space<vmem>>, vector<16xf32>,
          %parallel_loop3A_163 = tpu.vector_load_idx %arg11[%add3A_75, %parallel_loop3A_137] : memref<128x64xf32, #tpu.memory_space<vmem>>[vector<16xi32>, vector<16xi32>], vector<16xf32>,
          %parallel_loop3A_164 = arith.mulf %parallel_loop3A_163, %get3A_117 : vector<16xf32>
          %parallel_loop3A_165 = arith.index_cast %parallel_loop3A_136 : i32 to index
          %parallel_loop3A_166 = arith.constant 80 : index
          %parallel_loop3A_167 = tpu.vector_load %arg12[%parallel_loop3A_165, %parallel_loop3A_166] {strides = array<i32>} : memref<64x128xf32, #tpu.memory_space<vmem>>, vector<16xf32>,
          tpu.vector_store %arg12[%parallel_loop3A_165, %parallel_loop3A_166], %parallel_loop3A_164 {strides = array<i32>} : memref<64x128xf32, #tpu.memory_space<vmem>>, vector<16xf32>,
          %parallel_loop3A_168 = tpu.vector_load_idx %arg11[%add3A_78, %parallel_loop3A_137] : memref<128x64xf32, #tpu.memory_space<vmem>>[vector<16xi32>, vector<16xi32>], vector<16xf32>,
          %parallel_loop3A_169 = arith.mulf %parallel_loop3A_168, %get3A_123 : vector<16xf32>
          %parallel_loop3A_170 = arith.index_cast %parallel_loop3A_136 : i32 to index
          %parallel_loop3A_171 = arith.constant 96 : index
          %parallel_loop3A_172 = tpu.vector_load %arg12[%parallel_loop3A_170, %parallel_loop3A_171] {strides = array<i32>} : memref<64x128xf32, #tpu.memory_space<vmem>>, vector<16xf32>,
          tpu.vector_store %arg12[%parallel_loop3A_170, %parallel_loop3A_171], %parallel_loop3A_169 {strides = array<i32>} : memref<64x128xf32, #tpu.memory_space<vmem>>, vector<16xf32>,
          %parallel_loop3A_173 = tpu.vector_load_idx %arg11[%add3A_81, %parallel_loop3A_137] : memref<128x64xf32, #tpu.memory_space<vmem>>[vector<16xi32>, vector<16xi32>], vector<16xf32>,
          %parallel_loop3A_174 = arith.mulf %parallel_loop3A_173, %get3A_129 : vector<16xf32>
          %parallel_loop3A_175 = arith.index_cast %parallel_loop3A_136 : i32 to index
          %parallel_loop3A_176 = arith.constant 112 : index
          %parallel_loop3A_177 = tpu.vector_load %arg12[%parallel_loop3A_175, %parallel_loop3A_176] {strides = array<i32>} : memref<64x128xf32, #tpu.memory_space<vmem>>, vector<16xf32>,
          tpu.vector_store %arg12[%parallel_loop3A_175, %parallel_loop3A_176], %parallel_loop3A_174 {strides = array<i32>} : memref<64x128xf32, #tpu.memory_space<vmem>>, vector<16xf32>,
        } {sc.loop_unroll_factor = 4 : i64, sc.parallel_access}
        %mul3A_133 = arith.constant 128 : i32
        %mul3A_134 = arith.muli %while3A_49, %mul3A_133 : i32
        %add3A_135 = arith.addi %mul3A_2, %mul3A_134 : i32
        "tpu.region"() ({
          %run_scoped3A = tpu.sem_alloc : memref<!tpu.dma_semaphore, #tpu.memory_space<semaphore_mem>>
          %dma_start3A_136 = arith.constant 0 : i32
          %dma_start3A_137 = tpu.memref_slice %arg6[%scan3A_29, %dma_start3A_136, %add3A_135] : memref<4x64x214272xf32, #tpu.memory_space<hbm>> -> memref<1x64x128xf32, #tpu.memory_space<hbm>>
          %dma_start3A_138 = tpu.memref_squeeze %dma_start3A_137 : memref<1x64x128xf32, #tpu.memory_space<hbm>> -> memref<64x128xf32, #tpu.memory_space<hbm>>
          %dma_start3A_139 = arith.constant 0 : i32
          %dma_start3A_140 = tpu.memref_slice %arg6[%scan3A_29, %dma_start3A_139, %add3A_135] : memref<4x64x214272xf32, #tpu.memory_space<hbm>> -> memref<1x64x128xf32, #tpu.memory_space<hbm>>
          %dma_start3A_141 = tpu.memref_squeeze %dma_start3A_140 : memref<1x64x128xf32, #tpu.memory_space<hbm>> -> memref<64x128xf32, #tpu.memory_space<hbm>>
          tpu.enqueue_dma source(%arg12 : memref<64x128xf32, #tpu.memory_space<vmem>>) target(%dma_start3A_141 : memref<64x128xf32, #tpu.memory_space<hbm>>) target_semaphore(%run_scoped3A : memref<!tpu.dma_semaphore, #tpu.memory_space<semaphore_mem>>)
          %dma_wait3A_142 = arith.constant 0 : i32
          %dma_wait3A_143 = tpu.memref_slice %arg6[%scan3A_29, %dma_wait3A_142, %add3A_135] : memref<4x64x214272xf32, #tpu.memory_space<hbm>> -> memref<1x64x128xf32, #tpu.memory_space<hbm>>
          %dma_wait3A_144 = tpu.memref_squeeze %dma_wait3A_143 : memref<1x64x128xf32, #tpu.memory_space<hbm>> -> memref<64x128xf32, #tpu.memory_space<hbm>>
          %dma_wait3A_145 = arith.constant 0 : i32
          %dma_wait3A_146 = tpu.memref_slice %arg6[%scan3A_29, %dma_wait3A_145, %add3A_135] : memref<4x64x214272xf32, #tpu.memory_space<hbm>> -> memref<1x64x128xf32, #tpu.memory_space<hbm>>
          %dma_wait3A_147 = tpu.memref_squeeze %dma_wait3A_146 : memref<1x64x128xf32, #tpu.memory_space<hbm>> -> memref<64x128xf32, #tpu.memory_space<hbm>>
          tpu.wait_dma2 semaphore(%run_scoped3A : memref<!tpu.dma_semaphore, #tpu.memory_space<semaphore_mem>>) src(%arg12 : memref<64x128xf32, #tpu.memory_space<vmem>>) dst(%dma_wait3A_147 : memref<64x128xf32, #tpu.memory_space<hbm>>)
          tpu.yield
        }) : () -> ()
      }
    }
    %scan3A_28 = arith.constant 4 : i32
    return
  }
}

</mosaic_0001>

<sc_bundles>
// kernel: kernel.3.cloned.1.call-start
scs
__scs_entry_jumppad:
0x0: {  	(pc) =	sbr.rel $0x88, $3  }
0x1: {  	(tag) =	ssettag $0x0;
	lr =	simm.s32 $0x1  }
0x2: {  	[smem:$0x3F9E] =	sst lr;
	_ =	strace $0xD0000000  }
0x3: {  	_ = 	snop  }
0x4: {  	_ = 	snop  }
0x5: {  	_ = 	snop  }
0x6: {  	_ = 	snop  }
0x7: {  	_ = 	snop  }
__scs_overlays_trampoline_lowered:
0x8: {  	[smem:$0x3FAD] =	sst s0  }
0x9: {  	[smem:$0x3FAE] =	sst s1  }
0xa: {  	[smem:$0x3FAF] =	sst s2  }
0xb: {  	[smem:$0x3FB0] =	sst s3  }
0xc: {  	[smem:$0x3FB1] =	sst s4  }
0xd: {  	[smem:$0x3FB2] =	sst s5  }
0xe: {  	[smem:$0x3FB3] =	sst s6  }
0xf: {  	[smem:$0x3FB4] =	sst s7  }
0x10: {  	[smem:$0x3FB5] =	sst s8  }
0x11: {  	[smem:$0x3FB6] =	sst s9;
	s0 =	simm.s32 @!p0 $0x0  }
0x12: {  	s1 =	sld [smem:$0x3F9C];
	s0 =	simm.s32 @p0 $0x1  }
0x13: {  	[smem:$0x3FB7] =	sst s0;
	s0 =	simm.s32 @!p1 $0x0  }
0x14: {  	s2 =	sld [smem:$0x3F9B];
	s0 =	simm.s32 @p1 $0x1  }
0x15: {  	[smem:$0x3FB8] =	sst s0;
	s0 =	simm.s32 @!p2 $0x0  }
0x16: {  	s3 =	sld [smem:$0x3FDB];
	s0 =	simm.s32 @p2 $0x1  }
0x17: {  	s4 =	simm.s32 $0x1BF5;
	[smem:$0x3FBA] =	sst s0  }
0x18: {  	s0 =	sld [smem:$0x3F9D];
	_ =	swait.ge [sflag:s4], $0x0  }
0x19: {  	s7 =	sld [smem:$0x3F9E]  }
0x1a: {  	s8 =	sadd.s32 $0xFFFFE003, lr  }
0x1b: {  	s9 =	sadd.s32 $0xFFFFFEF7, lr;
	s5 =	simm.s32 $0xFFFFFFFF;
	p2 =	slt.u32 s8, $0xFFFFF086  }
0x1c: {  	p1 =	slt.u32 s9, $0xF7A;
	s5 =	simm.s32 @!p2 $0x0  }
0x1d: {  	s5 =	simm.s32 @p1 $0x1;
	p0 =	seq.s32 s7, s2  }
0x1e: {  	s7 =	smul.u32 @!p0 $0xF7A, s2;
	p2 =	seq.s32 @!p0 s5, $0x0  }
0x1f: {  	s9 =	smul.u32 $0xF7A, s1;
	s8 =	simm.s32 @!p0 $0x1BF5;
	p2 =	por !p2, p0  }
0x20: {  	[sflag:s8] =	ssyncset.s32 @!p0 $0xFFFFF086;
	s6 =	sadd.s32 @!p0 s3, s7;
	s7 =	simm.s32 @!p0 $0x108  }
0x21: {  	s3 =	sadd.s32 s3, s9;
	s6 =	sadd.s32 @!p0 $0x88, s6;
	s7 =	simm.s32 @p2 $0x1082  }
0x22: {  	[simem:s7], [sflag:s8] =	dma.local @!p0 [hbm:s6], $0xF7A  }
0x23: {  	s9 =	sor.u32 $0xD0000000, s2;
	s6 =	simm.s32 $0x108;
	_ =	swait.ge @!p0 [sflag:s8], $0x0  }
0x24: {  	s3 =	sadd.s32 $0x88, s3;
	s6 =	simm.s32 @!p1 $0x1082;
	[sflag:s4] =	ssyncset.s32 $0xFFFFF086  }
0x25: {  	[simem:s6], [sflag:s4] =	dma.local [hbm:s3], $0xF7A  }
0x26: {  	[smem:$0x3F9E] =	sst s1;
	(tag) =	ssettag s2;
	_ =	strace s9  }
0x27: {  	s1 =	sld [smem:$0x3FAE]  }
0x28: {  	s2 =	sld [smem:$0x3FAF]  }
0x29: {  	s4 =	sld [smem:$0x3FB1]  }
0x2a: {  	p0 =	seq.s32 s5, $0x0;
	s5 =	sld [smem:$0x3FB2]  }
0x2b: {  	s6 =	sld [smem:$0x3FB3]  }
0x2c: {  	s7 =	sld [smem:$0x3FB4]  }
0x2d: {  	s3 =	simm.s32 $0x108;
	s8 =	sld [smem:$0x3FB5]  }
0x2e: {  	s3 =	simm.s32 @!p0 $0x1082;
	s9 =	sld [smem:$0x3FB6]  }
0x2f: {  	lr =	sadd.s32 s0, s3;
	s0 =	sld [smem:$0x3FAD]  }
0x30: {  	s3 =	sld [smem:$0x3FB0]  }
0x31: {  	[smem:$0x3FB9] =	sst s10  }
0x32: {  	s10 =	sld [smem:$0x3FB7];
	_ =	sdelay $0x3  }
0x33: {  	p0 =	seq.s32 s10, $0x1;
	s10 =	sld [smem:$0x3FB9];
	_ =	sdelay $0x3  }
0x34: {  	[smem:$0x3FB9] =	sst s10  }
0x35: {  	s10 =	sld [smem:$0x3FB8];
	_ =	sdelay $0x3  }
0x36: {  	p1 =	seq.s32 s10, $0x1;
	s10 =	sld [smem:$0x3FB9];
	_ =	sdelay $0x3  }
0x37: {  	[smem:$0x3FB9] =	sst s10  }
0x38: {  	s10 =	sld [smem:$0x3FBA]  }
0x39: {  	_ = 	snop;
	(pc) =	sbr.ind lr, $3  }
0x3a: {  	_ = 	snop  }
0x3b: {  	_ = 	snop  }
0x3c: {  	p2 =	seq.s32 s10, $0x1;
	s10 =	sld [smem:$0x3FB9]  }
0x3d: {  	_ =	shalt  }
0x3e: {  	_ =	shalt  }
0x3f: {  	_ =	shalt  }
0x40: {  	_ =	shalt  }
0x41: {  	_ =	shalt  }
0x42: {  	_ =	shalt  }
0x43: {  	_ =	shalt  }
0x44: {  	_ =	shalt  }
0x45: {  	_ =	shalt  }
0x46: {  	_ =	shalt  }
0x47: {  	_ =	shalt  }
0x48: {  	_ =	shalt  }
0x49: {  	_ =	shalt  }
0x4a: {  	_ =	shalt  }
0x4b: {  	_ =	shalt  }
0x4c: {  	_ =	shalt  }
0x4d: {  	_ =	shalt  }
0x4e: {  	_ =	shalt  }
0x4f: {  	_ =	shalt  }
0x50: {  	_ =	shalt  }
0x51: {  	_ =	shalt  }
0x52: {  	_ =	shalt  }
0x53: {  	_ =	shalt  }
0x54: {  	_ =	shalt  }
0x55: {  	_ =	shalt  }
0x56: {  	_ =	shalt  }
0x57: {  	_ =	shalt  }
0x58: {  	_ =	shalt  }
0x59: {  	_ =	shalt  }
0x5a: {  	_ =	shalt  }
0x5b: {  	_ =	shalt  }
0x5c: {  	_ =	shalt  }
0x5d: {  	_ =	shalt  }
0x5e: {  	_ =	shalt  }
0x5f: {  	_ =	shalt  }
0x60: {  	_ =	shalt  }
0x61: {  	_ =	shalt  }
0x62: {  	_ =	shalt  }
0x63: {  	_ =	shalt  }
0x64: {  	_ =	shalt  }
0x65: {  	_ =	shalt  }
0x66: {  	_ =	shalt  }
0x67: {  	_ =	shalt  }
0x68: {  	_ =	shalt  }
0x69: {  	_ =	shalt  }
0x6a: {  	_ =	shalt  }
0x6b: {  	_ =	shalt  }
0x6c: {  	_ =	shalt  }
0x6d: {  	_ =	shalt  }
0x6e: {  	_ =	shalt  }
0x6f: {  	_ =	shalt  }
0x70: {  	_ =	shalt  }
0x71: {  	_ =	shalt  }
0x72: {  	_ =	shalt  }
0x73: {  	_ =	shalt  }
0x74: {  	_ =	shalt  }
0x75: {  	_ =	shalt  }
0x76: {  	_ =	shalt  }
0x77: {  	_ =	shalt  }
0x78: {  	_ =	shalt  }
0x79: {  	_ =	shalt  }
0x7a: {  	_ =	shalt  }
0x7b: {  	_ =	shalt  }
0x7c: {  	_ =	shalt  }
0x7d: {  	_ =	shalt  }
0x7e: {  	_ =	shalt  }
0x7f: {  	_ =	shalt  }
0x80: {  	_ =	shalt  }
0x81: {  	_ =	shalt  }
0x82: {  	_ =	shalt  }
0x83: {  	_ =	shalt  }
0x84: {  	_ =	shalt  }
0x85: {  	_ =	shalt  }
0x86: {  	_ =	shalt  }
0x87: {  	_ =	shalt  }
.Lfunc_end0:
.L_simem_size_0:
called_computation.1_lowered:
.L_overlay_start_0:
0x88: {  	s2 =	sld [smem:$0x3FD9]  }
0x89: {  	s3 =	sld [smem:$0x3FFE];
	_ =	sdelay $0x1  }
0x8a: {  	s1 =	srdreg.scid  }
0x8b: {  	s0 =	sand.u32 $0x1, s1  }
0x8c: {  	s17 =	sshll.u32 s0, $0xA;
	s2 =	sadd.s32 s3, s2  }
0x8d: {  	s2 =	sadd.s32 s2, s17  }
0x8e: {  	[smem:$0x3FC5] =	sst s2  }
0x8f: {  	_ = 	snop  }
0x90: {  	s2 =	sld [smem:$0x3FD0];
	(tm) =	ssettm $0x1  }
0x91: {  	s18 =	sld [smem:$0x3FFB];
	_ =	sdelay $0x3  }
0x92: {  	_ =	strace s18  }
0x93: {  	s3 =	sld [smem:$0x3FFC];
	_ =	sdelay $0x3  }
0x94: {  	_ =	strace s3  }
0x95: {  	s3 =	sld [smem:$0x3FFD];
	_ =	sdelay $0x3  }
0x96: {  	_ =	strace s3  }
0x97: {  	_ =	strace $0x8FFFFFFF  }
0x98: {  	s19 =	sld [smem:$0x3FDB];
	_ =	sdelay $0x1  }
0x99: {  	s4 =	simm.s32 $_scs_section_size  }
0x9a: {  	s5 =	simm.s32 $_size__tile_overlayer_lowered;
	s6 =	simm.s32 $_tile_overlayer_lowered  }
0x9b: {  	s22 =	simm.s32 $0x1BFF;
	s21 =	sshll.u32 s6, $0x1;
	s3 =	sadd.s32 s4, s19  }
0x9c: {  	s7 =	simm.s32 $0x0;
	s20 =	sshll.u32 s5, $0x1;
	s5 =	sadd.s32 s21, s3  }
0x9d: {  	[timem:s7], [sflag:s22] =	dma.local [hbm:s5], s20  }
0x9e: {  	_ =	swait.ge [sflag:s22], s20  }
0x9f: {  	s4 =	ssub.s32 $0x0, s20;
	[sflag:s22] =	ssyncset.done $0x0  }
0xa0: {  	[sflag:s22] =	ssyncadd.s32 s4;
	_ =	sdelay $0x1  }
0xa1: {  	s23 =	simm.s32 $0x1B8B  }
0xa2: {  	_ =	swait.ge [sflag:s23], $0x1  }
0xa3: {  	[sflag:s23] =	ssyncset.done $0x0  }
0xa4: {  	s25 =	simm.s32 $0x1B8E;
	s24 =	sld [smem:$0x3FFE];
	[sflag:s23] =	ssyncadd.s32 $0xFFFFFFFF  }
0xa5: {  	s26 =	simm.s32 $execute0_lowered;
	[smem:$0x3FD2] =	sst s25  }
0xa6: {  	s5 =	sshll.u32 s26, $0x1;
	_ =	strace $0x80000046;
	[dreg:$0x1] =	wrdreg $0xFFFFFFFF  }
0xa7: {  	s28 =	simm.s32 $_size_execute0_lowered;
	s3 =	sadd.s32 s3, s5;
	[dreg:$0x0] =	wrdreg $0x0  }
0xa8: {  	s5 =	sshll.u32 s28, $0x1;
	[dreg:$0x2] =	wrdreg s3  }
0xa9: {  	[dreg:$0x3] =	wrdreg s5  }
0xaa: {  	[dreg:$0x4] =	wrdreg $0xC0  }
0xab: {  	_ =	task [dreg:s7], $0x5FFFF  }
0xac: {  	[dreg:$0x1] =	wrdreg $0xFFFFFFFF  }
0xad: {  	[dreg:$0x0] =	wrdreg $0x60  }
0xae: {  	[dreg:$0x2] =	wrdreg s24  }
0xaf: {  	[dreg:$0x3] =	wrdreg s2  }
0xb0: {  	[dreg:$0x4] =	wrdreg $0x9  }
0xb1: {  	_ =	task.clear_ibuf [dreg:s7], $0x5FFFF;
	_ =	strace $0x90000046  }
0xb2: {  	s29 =	simm.s32 $0x9;
	_ =	strace $0x80000048  }
0xb3: {  	_ =	swait.ge [sflag:s29], $0x1  }
0xb4: {  	[sflag:s29] =	ssyncadd.s32 $0xFFFFFFFF  }
0xb5: {  	_ =	strace $0x90000048  }
0xb6: {  	_ =	sfence  }
0xb7: {  	s30 =	sld [smem:$0x0];
	_ =	sdelay $0x2  }
0xb8: {  	s31 =	sshll.u32 s1, $0xD;
	s1 =	sshrl.u32 s1, $0x2  }
0xb9: {  	s3 =	sand.u32 $0x4000, s31;
	s1 =	sadd.s32 s1, s30  }
0xba: {  	s0 =	sor.u32 s3, s0;
	s1 =	sshll.u32 s1, $0x11  }
0xbb: {  	s0 =	sor.u32 s1, s0  }
0xbc: {  	s0 =	sadd.s32 $0x8F2B, s0  }
0xbd: {  	[sflag:s0] =	ssyncadd.remote.s32 $0x1  }
0xbe: {  	_ =	sfence.sel $0xFFFF  }
0xbf: {  	[dreg:$0x0] =	wrdreg $0xFFFFFFFF;
	(pc) =	sbr.abs _section_cstart, $3  }
0xc0: {  	[dreg:$0x1] =	wrdreg $0xFFFFFFFF  }
0xc1: {  	_ =	task.clear_ibuf [dreg:s7], $0x2FFFF;
	_ =	strace $0x9FFFFFFF  }
0xc2: {  	(tm) =	ssettm $0x7FFFFFFF  }
0xc3: {  	_ =	shalt  }
tec
execute0_lowered:
.L_overlay_start_1:
0x0: {  	(tag) =	ssettag $0x1  }
0x1: {  	s1 =	rddreg [dreg:$0x0]  }
0x2: {  	s2 =	rddreg [dreg:$0x1];
	s0 =	srdreg.scid;
	s4 =	simm.s32 $0x0  }
0x3: {  	s5 =	stileid.u32;
	s11 =	simm.s32 $0xD2C0;
	s12 =	simm.s32 $0x2  }
0x4: {  	s14 =	simm.s32 $0x5DC0;
	s0 =	sand.u32 $0x1, s0;
	s6 =	sshll.u32 s5, $0x1  }
0x5: {  	s15 =	simm.s32 $0x7840;
	s16 =	simm.s32 $0x80;
	s7 =	sor.u32 s0, s6  }
0x6: {  	s17 =	simm.s32 $0x92C0;
	s18 =	simm.s32 $0x1;
	s7 =	smul.u32 $0x1A80, s7  }
0x7: {  	s19 =	simm.s32 $0x34500;
	s20 =	simm.s32 $0xB2C0;
	s8 =	smul.u32 $0xFFFFCB00, s5  }
0x8: {  	v0 =	vlaneseq.u32;
	s21 =	simm.s32 $0x0;
	[smem:$0x7FF] =	sst s4;
	s3 =	smul.u32 $0xFFFFE580, s0;
	v1 =	vmov s7  }
0x9: {  	s5 =	sadd.s32 $0x3000, s1;
	_ =	strace $0x80000047;
	s10 =	ssub.s32 $0x34500, s7;
	v2 =	vsub.s32 $0x0, v1;
	v1 =	vmul.u32 $0x40, v0  }
0xa: {  	v4 =	vimm.f32 $0.0e+00;
	s0 =	ssub.s32 $0x2, s0;
	s3 =	sadd.s32 s8, s3;
	s13 =	smin.u32 s10, $0x1A80  }
0xb: {  	s6 =	sadd.s32 $0x1800, s1;
	s9 =	sshrl.u32 s0, $0x1;
	s3 =	sadd.s32 $0x34500, s3;
	v2 =	vbroadcast v2, $0x0;
	v3 =	vmov s13;
	v5 =	vor.u32 $0x400, v1  }
0xc: {  	s8 =	sadd.s32 $0x60C00, s1;
	s0 =	ssub.s32 s0, s9;
	s3 =	smin.u32 s3, $0x1A80;
	v6 =	vor.u32 $0x800, v1;
	v7 =	vor.u32 $0xC00, v1;
	v8 =	vor.u32 $0x1000, v1  }
0xd: {  	s10 =	smax.u32 s0, $0x1;
	s9 =	sshrl.u32 s3, $0x7;
	s13 =	simm.s32 $0x2EE0;
	v9 =	vor.u32 $0x1400, v1;
	v10 =	vor.u32 $0x1800, v1;
	v11 =	vor.u32 $0x1C00, v1  }
.LBB2_1:
0xe: {  	[tilespmem:s11], [sflag:$0x2] =	stream.linear.gather [hbm4b:s8+s4], $0x10, $0x38;
	[tilespmem:$0xD2D0] =	vst v63  }
0xf: {  	_ =	swait.ge [sflag:s12], $0x10  }
0x10: {  	[sflag:s12] =	ssyncset.done $0x0  }
0x11: {  	[sflag:s12] =	ssyncadd.s32 $0xFFFFFFF0  }
0x12: {  	s22 =	simm.s32 $0x0;
	s23 =	simm.s32 $0x0;
	v12 =	vld [tilespmem:$0xD2C0]  }
.LBB2_2:
0x13: {  	s0 =	smul.u32 $0x2EE0, s23;
	_ =	sdelay $0x1  }
0x14: {  	s0 =	sshrl.u32 s0, $0x3  }
0x15: {  	s24 =	simm.s32 $0x0;
	s3 =	sadd.s32 s6, s0  }
0x16: {  	[tilespmem:s24], [sflag:$0x2] =	stream.linear.gather [hbm4b:s3+s24], $0x2EE0, $0x38;
	[tilespmem:$0xD2D0] =	vst v63  }
0x17: {  	_ =	swait.ge [sflag:s12], $0x2EE0  }
0x18: {  	[sflag:s12] =	ssyncset.done $0x0  }
0x19: {  	s0 =	sadd.s32 s1, s0;
	[sflag:s12] =	ssyncadd.s32 $0xFFFFD120  }
0x1a: {  	[tilespmem:s13], [sflag:$0x2] =	stream.linear.gather [hbm4b:s0+s24], $0x2EE0, $0x38;
	[tilespmem:$0xD2D0] =	vst v63  }
0x1b: {  	_ =	swait.ge [sflag:s12], $0x2EE0  }
0x1c: {  	s3 =	sadd.s32 $0x0, s22;
	[sflag:s12] =	ssyncset.done $0x0  }
0x1d: {  	v13 =	vor.u32 s3, v0;
	s0 =	simm.s32 $0x5E00;
	[sflag:s12] =	ssyncadd.s32 $0xFFFFD120  }
0x1e: {  	s25 =	simm.s32 $0x7880;
	s26 =	sadd.s32 $0x10, s3;
	[tilespmem:s0+$0xFFFFFFC0] =	vst v13  }
0x1f: {  	v13 =	vor.u32 s26, v0;
	[tilespmem:s25+$0xFFFFFFC0] =	vst v4  }
0x20: {  	s31 =	sadd.s32 $0x20, s3;
	[tilespmem:s0+$0xFFFFFFD0] =	vst v13  }
0x21: {  	v13 =	vor.u32 s31, v0;
	[tilespmem:s25+$0xFFFFFFD0] =	vst v4  }
0x22: {  	s28 =	sadd.s32 $0x30, s3;
	[tilespmem:s0+$0xFFFFFFE0] =	vst v13  }
0x23: {  	v13 =	vor.u32 s28, v0;
	[tilespmem:s25+$0xFFFFFFE0] =	vst v4  }
0x24: {  	s29 =	sadd.s32 $0x40, s3;
	[tilespmem:s0+$0xFFFFFFF0] =	vst v13  }
0x25: {  	p0 =	por $0x0, $0x0;
	v13 =	vor.u32 s29, v0;
	[tilespmem:s25+$0xFFFFFFF0] =	vst v4  }
.Ltmp0:
0x26: {  	s30 =	sadd.s32 $0x50, s3;
	[tilespmem:s0+$0x0] =	vst v13;
	(pc) =	sbr.rel @p0 .LBB2_4-.Ltmp0, $4  }
0x27: {  	v13 =	vor.u32 s30, v0;
	[tilespmem:s25+$0x0] =	vst v4  }
0x28: {  	s31 =	sadd.s32 $0x60, s3;
	[tilespmem:s0+$0x10] =	vst v13  }
0x29: {  	v13 =	vor.u32 s31, v0;
	[tilespmem:s25+$0x10] =	vst v4  }
0x2a: {  	s26 =	simm.s32 $0x80;
	s3 =	sadd.s32 $0x70, s3;
	[tilespmem:s0+$0x20] =	vst v13  }
.LBB2_3:
0x2b: {  	p0 =	seq.s32 s26, $0x1A00;
	[tilespmem:s25+$0x20] =	vst v4;
	v13 =	vor.u32 s3, v0  }
0x2c: {  	s3 =	sadd.s32 s26, s22;
	[tilespmem:s0+$0x30] =	vst v13  }
0x2d: {  	v13 =	vor.u32 s3, v0;
	s0 =	sadd.s32 $0x80, s0;
	[tilespmem:s25+$0x30] =	vst v4  }
0x2e: {  	s28 =	sadd.s32 $0x10, s3;
	s25 =	sadd.s32 $0x80, s25;
	[tilespmem:s0+$0xFFFFFFC0] =	vst v13  }
0x2f: {  	v13 =	vor.u32 s28, v0;
	[tilespmem:s25+$0xFFFFFFC0] =	vst v4  }
0x30: {  	s28 =	sadd.s32 $0x20, s3;
	[tilespmem:s0+$0xFFFFFFD0] =	vst v13  }
0x31: {  	v13 =	vor.u32 s28, v0;
	[tilespmem:s25+$0xFFFFFFD0] =	vst v4  }
0x32: {  	s28 =	sadd.s32 $0x30, s3;
	[tilespmem:s0+$0xFFFFFFE0] =	vst v13  }
0x33: {  	v13 =	vor.u32 s28, v0;
	[tilespmem:s25+$0xFFFFFFE0] =	vst v4  }
0x34: {  	s28 =	sadd.s32 $0x40, s3;
	[tilespmem:s0+$0xFFFFFFF0] =	vst v13  }
0x35: {  	v13 =	vor.u32 s28, v0;
	[tilespmem:s25+$0xFFFFFFF0] =	vst v4  }
.Ltmp1:
0x36: {  	s28 =	sadd.s32 $0x50, s3;
	[tilespmem:s0+$0x0] =	vst v13;
	(pc) =	sbr.rel @!p0 .LBB2_3-.Ltmp1, $4  }
0x37: {  	v13 =	vor.u32 s28, v0;
	[tilespmem:s25+$0x0] =	vst v4  }
0x38: {  	s28 =	sadd.s32 $0x60, s3;
	[tilespmem:s0+$0x10] =	vst v13  }
0x39: {  	v13 =	vor.u32 s28, v0;
	[tilespmem:s25+$0x10] =	vst v4  }
0x3a: {  	s26 =	sadd.s32 $0x80, s26;
	s3 =	sadd.s32 $0x70, s3;
	[tilespmem:s0+$0x20] =	vst v13  }
.LBB2_4:
0x3b: {  	[tilespmem:s25+$0x20] =	vst v4;
	v13 =	vor.u32 s3, v0  }
0x3c: {  	[tilespmem:s0+$0x30] =	vst v13  }
0x3d: {  	s0 =	simm.s32 $0x2F30;
	[tilespmem:s25+$0x30] =	vst v4;
	s25 =	simm.s32 $0x50  }
.LBB2_5:
0x3e: {  	v13 =	vld [tilespmem:s25+$0xFFFFFFB0]  }
0x3f: {  	v14 =	vld [tilespmem:s0+$0xFFFFFFB0];
	_ =	sdelay $0x3  }
0x40: {  	v13 =	vmul.u32 $0x1B0, v13  }
0x41: {  	v14 =	vadd.s32 v2, v14  }
0x42: {  	v13 =	vadd.s32 v13, v14  }
0x43: {  	vm0 =	vgt.s32 v13, $0xFFFFFFFF;
	vm1 =	vlt.s32 v13, v3  }
0x44: {  	vm0 =	vmand vm0, vm1  }
0x45: {  	v13 =	vnsel vm0, $0x0, v13;
	_ =	sdelay $0x2  }
0x46: {  	s26 =	sadd.s32 s24, s22  }
0x47: {  	v14 =	vor.u32 s26, v0  }
0x48: {  	[tilespmem:v13+s14+$0x0] =	vst.idx.msk vm0, v14  }
0x49: {  	[tilespmem:v13+s15+$0x0] =	vst.idx.msk vm0, v12  }
0x4a: {  	v13 =	vld [tilespmem:s25+$0xFFFFFFC0]  }
0x4b: {  	v14 =	vld [tilespmem:s0+$0xFFFFFFC0];
	_ =	sdelay $0x3  }
0x4c: {  	v13 =	vmul.u32 $0x1B0, v13  }
0x4d: {  	v14 =	vadd.s32 v2, v14  }
0x4e: {  	v13 =	vadd.s32 v13, v14  }
0x4f: {  	vm10 =	vgt.s32 v13, $0xFFFFFFFF;
	vm11 =	vlt.s32 v13, v3  }
0x50: {  	vm0 =	vmand vm10, vm11  }
0x51: {  	v13 =	vnsel vm0, $0x0, v13;
	_ =	sdelay $0x2  }
0x52: {  	s3 =	sadd.s32 $0x10, s26  }
0x53: {  	v14 =	vor.u32 s3, v0  }
0x54: {  	[tilespmem:v13+s14+$0x0] =	vst.idx.msk vm0, v14  }
0x55: {  	[tilespmem:v13+s15+$0x0] =	vst.idx.msk vm0, v12  }
0x56: {  	v13 =	vld [tilespmem:s25+$0xFFFFFFD0]  }
0x57: {  	v14 =	vld [tilespmem:s0+$0xFFFFFFD0];
	_ =	sdelay $0x3  }
0x58: {  	v13 =	vmul.u32 $0x1B0, v13  }
0x59: {  	v14 =	vadd.s32 v2, v14  }
0x5a: {  	v13 =	vadd.s32 v13, v14  }
0x5b: {  	vm12 =	vgt.s32 v13, $0xFFFFFFFF;
	vm13 =	vlt.s32 v13, v3  }
0x5c: {  	vm0 =	vmand vm12, vm13  }
0x5d: {  	v13 =	vnsel vm0, $0x0, v13;
	_ =	sdelay $0x2  }
0x5e: {  	s28 =	sadd.s32 $0x20, s26  }
0x5f: {  	v14 =	vor.u32 s28, v0  }
0x60: {  	[tilespmem:v13+s14+$0x0] =	vst.idx.msk vm0, v14  }
0x61: {  	[tilespmem:v13+s15+$0x0] =	vst.idx.msk vm0, v12  }
0x62: {  	v13 =	vld [tilespmem:s25+$0xFFFFFFE0]  }
0x63: {  	v14 =	vld [tilespmem:s0+$0xFFFFFFE0];
	_ =	sdelay $0x3  }
0x64: {  	v13 =	vmul.u32 $0x1B0, v13  }
0x65: {  	v14 =	vadd.s32 v2, v14  }
0x66: {  	v13 =	vadd.s32 v13, v14  }
0x67: {  	vm14 =	vgt.s32 v13, $0xFFFFFFFF;
	vm15 =	vlt.s32 v13, v3  }
0x68: {  	vm0 =	vmand vm14, vm15  }
0x69: {  	v13 =	vnsel vm0, $0x0, v13;
	_ =	sdelay $0x2  }
0x6a: {  	s29 =	sadd.s32 $0x30, s26  }
0x6b: {  	v14 =	vor.u32 s29, v0  }
0x6c: {  	[tilespmem:v13+s14+$0x0] =	vst.idx.msk vm0, v14  }
0x6d: {  	[tilespmem:v13+s15+$0x0] =	vst.idx.msk vm0, v12  }
0x6e: {  	v13 =	vld [tilespmem:s25+$0xFFFFFFF0]  }
0x6f: {  	v14 =	vld [tilespmem:s0+$0xFFFFFFF0];
	_ =	sdelay $0x3  }
0x70: {  	v13 =	vmul.u32 $0x1B0, v13  }
0x71: {  	v14 =	vadd.s32 v2, v14  }
0x72: {  	v13 =	vadd.s32 v13, v14  }
0x73: {  	vm4 =	vgt.s32 v13, $0xFFFFFFFF;
	vm5 =	vlt.s32 v13, v3  }
0x74: {  	vm0 =	vmand vm4, vm5  }
0x75: {  	v13 =	vnsel vm0, $0x0, v13;
	_ =	sdelay $0x2  }
0x76: {  	s30 =	sadd.s32 $0x40, s26  }
0x77: {  	v14 =	vor.u32 s30, v0  }
0x78: {  	[tilespmem:v13+s14+$0x0] =	vst.idx.msk vm0, v14  }
0x79: {  	[tilespmem:v13+s15+$0x0] =	vst.idx.msk vm0, v12  }
0x7a: {  	v13 =	vld [tilespmem:s25+$0x0]  }
0x7b: {  	v14 =	vld [tilespmem:s0+$0x0];
	_ =	sdelay $0x3  }
0x7c: {  	v13 =	vmul.u32 $0x1B0, v13  }
0x7d: {  	v14 =	vadd.s32 v2, v14  }
0x7e: {  	v13 =	vadd.s32 v13, v14  }
0x7f: {  	vm6 =	vgt.s32 v13, $0xFFFFFFFF;
	vm7 =	vlt.s32 v13, v3  }
0x80: {  	vm0 =	vmand vm6, vm7  }
0x81: {  	v13 =	vnsel vm0, $0x0, v13;
	_ =	sdelay $0x2  }
0x82: {  	s31 =	sadd.s32 $0x50, s26  }
0x83: {  	v14 =	vor.u32 s31, v0  }
0x84: {  	[tilespmem:v13+s14+$0x0] =	vst.idx.msk vm0, v14  }
0x85: {  	[tilespmem:v13+s15+$0x0] =	vst.idx.msk vm0, v12  }
0x86: {  	v13 =	vld [tilespmem:s25+$0x10]  }
0x87: {  	v14 =	vld [tilespmem:s0+$0x10];
	_ =	sdelay $0x3  }
0x88: {  	v13 =	vmul.u32 $0x1B0, v13  }
0x89: {  	v14 =	vadd.s32 v2, v14  }
0x8a: {  	v13 =	vadd.s32 v13, v14  }
0x8b: {  	vm8 =	vgt.s32 v13, $0xFFFFFFFF;
	vm9 =	vlt.s32 v13, v3  }
0x8c: {  	vm0 =	vmand vm8, vm9  }
0x8d: {  	v13 =	vnsel vm0, $0x0, v13;
	_ =	sdelay $0x2  }
0x8e: {  	s28 =	sadd.s32 $0x60, s26  }
0x8f: {  	v14 =	vor.u32 s28, v0  }
0x90: {  	[tilespmem:v13+s14+$0x0] =	vst.idx.msk vm0, v14  }
0x91: {  	[tilespmem:v13+s15+$0x0] =	vst.idx.msk vm0, v12  }
0x92: {  	v13 =	vld [tilespmem:s25+$0x20]  }
0x93: {  	v14 =	vld [tilespmem:s0+$0x20];
	_ =	sdelay $0x3  }
0x94: {  	v13 =	vmul.u32 $0x1B0, v13  }
0x95: {  	v14 =	vadd.s32 v2, v14  }
0x96: {  	v13 =	vadd.s32 v13, v14  }
0x97: {  	vm10 =	vgt.s32 v13, $0xFFFFFFFF;
	vm11 =	vlt.s32 v13, v3  }
0x98: {  	vm0 =	vmand vm10, vm11  }
0x99: {  	v13 =	vnsel vm0, $0x0, v13;
	_ =	sdelay $0x2  }
0x9a: {  	s29 =	sadd.s32 $0x70, s26  }
0x9b: {  	v14 =	vor.u32 s29, v0  }
0x9c: {  	[tilespmem:v13+s14+$0x0] =	vst.idx.msk vm0, v14  }
0x9d: {  	[tilespmem:v13+s15+$0x0] =	vst.idx.msk vm0, v12  }
0x9e: {  	v13 =	vld [tilespmem:s25+$0x30]  }
0x9f: {  	v14 =	vld [tilespmem:s0+$0x30];
	_ =	sdelay $0x3  }
0xa0: {  	v13 =	vmul.u32 $0x1B0, v13  }
0xa1: {  	v14 =	vadd.s32 v2, v14  }
0xa2: {  	v13 =	vadd.s32 v13, v14  }
0xa3: {  	vm12 =	vgt.s32 v13, $0xFFFFFFFF;
	vm13 =	vlt.s32 v13, v3  }
0xa4: {  	vm0 =	vmand vm12, vm13  }
0xa5: {  	v13 =	vnsel vm0, $0x0, v13;
	_ =	sdelay $0x2  }
0xa6: {  	s30 =	sadd.s32 $0x80, s26  }
0xa7: {  	v14 =	vor.u32 s30, v0  }
0xa8: {  	[tilespmem:v13+s14+$0x0] =	vst.idx.msk vm0, v14  }
0xa9: {  	[tilespmem:v13+s15+$0x0] =	vst.idx.msk vm0, v12  }
0xaa: {  	v13 =	vld [tilespmem:s25+$0x40]  }
0xab: {  	v14 =	vld [tilespmem:s0+$0x40];
	_ =	sdelay $0x3  }
0xac: {  	v13 =	vmul.u32 $0x1B0, v13  }
0xad: {  	v14 =	vadd.s32 v2, v14  }
0xae: {  	v13 =	vadd.s32 v13, v14  }
0xaf: {  	vm14 =	vgt.s32 v13, $0xFFFFFFFF;
	vm15 =	vlt.s32 v13, v3  }
0xb0: {  	vm0 =	vmand vm14, vm15  }
0xb1: {  	v13 =	vnsel vm0, $0x0, v13  }
0xb2: {  	p0 =	seq.s32 s24, $0x2E40  }
.Ltmp2:
0xb3: {  	_ = 	snop;
	(pc) =	sbr.rel @!p0 .LBB2_5-.Ltmp2, $4  }
0xb4: {  	s31 =	sadd.s32 $0x90, s26  }
0xb5: {  	v14 =	vor.u32 s31, v0  }
0xb6: {  	[tilespmem:v13+s14+$0x0] =	vst.idx.msk vm0, v14  }
0xb7: {  	s24 =	sadd.s32 $0xA0, s24;
	s0 =	sadd.s32 $0xA0, s0;
	s25 =	sadd.s32 $0xA0, s25;
	[tilespmem:v13+s15+$0x0] =	vst.idx.msk vm0, v12  }
0xb8: {  	s0 =	smul.u32 $0xD14000, s23;
	_ =	sdelay $0x1  }
0xb9: {  	s25 =	simm.s32 $0x0;
	s26 =	simm.s32 $0x0;
	s24 =	sadd.s32 s7, s0  }
.LBB2_7:
0xba: {  	s28 =	sshll.u32 s26, $0x7;
	s3 =	simm.s32 $0x1  }
0xbb: {  	s0 =	sadd.s32 $0x5DC0, s28;
	v14 =	vmov s3;
	s3 =	simm.s32 $0x2  }
0xbc: {  	[tilespmem:s17], [sflag:$0x1] =	stream.indirect.gather [hbm4b:s5+s16], $0x40, s0, s16, $0xb8;
	[tilespmem:$0xD2D0] =	vst v63  }
0xbd: {  	s0 =	simm.s32 $0x3;
	v14 =	vand.u32 $0x3D, v14;
	v15 =	vmov s3  }
0xbe: {  	v13 =	vmov s0;
	v31 =	vbroadcast v14, $0x0;
	v14 =	vand.u32 $0x3E, v15  }
0xbf: {  	_ =	swait.ge [sflag:s18], $0x2000;
	v13 =	vand.u32 $0x3F, v13;
	v30 =	vbroadcast v14, $0x0  }
0xc0: {  	[sflag:s18] =	ssyncset.done $0x0;
	v26 =	vbroadcast v13, $0x0  }
0xc1: {  	[sflag:s18] =	ssyncadd.s32 $0xFFFFE000;
	v13 =	vmov s25;
	v15 =	vor.u32 v1, v30  }
0xc2: {  	v23 =	vld [tilespmem:s28+$0x7840];
	v13 =	vand.u32 $0x3C, v13;
	v14 =	vor.u32 v1, v26  }
0xc3: {  	v21 =	vld [tilespmem:s28+$0x7850];
	v27 =	vbroadcast v13, $0x0;
	v13 =	vor.u32 v1, v31  }
0xc4: {  	v19 =	vld [tilespmem:s28+$0x7860]  }
0xc5: {  	v17 =	vld [tilespmem:s28+$0x7870]  }
0xc6: {  	v18 =	vor.u32 v1, v27;
	v24 =	vld.idx.msk [tilespmem:v15+s17+$0x0], $0xffff  }
0xc7: {  	v20 =	vld.idx.msk [tilespmem:v14+s17+$0x0], $0xffff  }
0xc8: {  	v22 =	vld.idx.msk [tilespmem:v13+s17+$0x0], $0xffff  }
0xc9: {  	v16 =	vld [tilespmem:s28+$0x7880];
	v29 =	vor.u32 v5, v30  }
0xca: {  	v25 =	vor.u32 v5, v26;
	v15 =	vld [tilespmem:s28+$0x7890]  }
0xcb: {  	v28 =	vor.u32 v5, v31;
	v18 =	vld.idx.msk [tilespmem:v18+s17+$0x0], $0xffff;
	v24 =	vmul.f32 v24, v23  }
0xcc: {  	s30 =	simm.s32 $0xB3C0;
	v14 =	vld [tilespmem:s28+$0x78A0];
	v20 =	vmul.f32 v20, v23  }
0xcd: {  	v13 =	vld [tilespmem:s28+$0x78B0];
	v22 =	vmul.f32 v22, v23;
	[tilespmem:s30+$0x0] =	vst v24  }
0xce: {  	v32 =	vor.u32 v5, v27;
	[tilespmem:s30+$0x80] =	vst v20;
	v24 =	vld.idx.msk [tilespmem:v29+s17+$0x0], $0xffff  }
0xcf: {  	[tilespmem:s30+$0xFFFFFF80] =	vst v22;
	v20 =	vld.idx.msk [tilespmem:v25+s17+$0x0], $0xffff  }
0xd0: {  	v18 =	vmul.f32 v18, v23;
	v22 =	vld.idx.msk [tilespmem:v28+s17+$0x0], $0xffff  }
0xd1: {  	v29 =	vor.u32 v6, v30  }
0xd2: {  	v25 =	vor.u32 v6, v26;
	[tilespmem:s30+$0xFFFFFF00] =	vst v18  }
0xd3: {  	v28 =	vor.u32 v6, v31;
	v18 =	vld.idx.msk [tilespmem:v32+s17+$0x0], $0xffff;
	v24 =	vmul.f32 v24, v21  }
0xd4: {  	v20 =	vmul.f32 v20, v21  }
0xd5: {  	s3 =	simm.s32 $0x4;
	v22 =	vmul.f32 v22, v21;
	[tilespmem:s30+$0x10] =	vst v24  }
0xd6: {  	v33 =	vmov s3;
	s3 =	simm.s32 $0x5;
	v60 =	vor.u32 v6, v27;
	[tilespmem:s30+$0x90] =	vst v20;
	v61 =	vld.idx.msk [tilespmem:v29+s17+$0x0], $0xffff  }
0xd7: {  	v24 =	vmov s3;
	s3 =	simm.s32 $0x7;
	v20 =	vand.u32 $0x3C, v33;
	[tilespmem:s30+$0xFFFFFF90] =	vst v22;
	v22 =	vld.idx.msk [tilespmem:v25+s17+$0x0], $0xffff  }
0xd8: {  	v18 =	vmul.f32 v18, v21;
	v20 =	vbroadcast v20, $0x0;
	v25 =	vld.idx.msk [tilespmem:v28+s17+$0x0], $0xffff;
	v28 =	vmov s3  }
0xd9: {  	v37 =	vor.u32 v7, v30;
	v28 =	vand.u32 $0x3F, v28  }
0xda: {  	v24 =	vand.u32 $0x3D, v24;
	[tilespmem:s30+$0xFFFFFF10] =	vst v18;
	v18 =	vor.u32 v1, v20;
	v29 =	vbroadcast v28, $0x0  }
0xdb: {  	s0 =	simm.s32 $0x6;
	v34 =	vor.u32 v7, v26;
	v32 =	vld.idx.msk [tilespmem:v60+s17+$0x0], $0xffff;
	v28 =	vbroadcast v24, $0x0;
	v33 =	vmul.f32 v61, v19  }
0xdc: {  	v35 =	vmov s0;
	v36 =	vor.u32 v7, v31;
	v39 =	vor.u32 v7, v27  }
0xdd: {  	s3 =	simm.s32 $0x8;
	v24 =	vand.u32 $0x3E, v35;
	v62 =	vor.u32 v1, v28;
	v22 =	vmul.f32 v22, v19;
	[tilespmem:s30+$0x20] =	vst v33  }
0xde: {  	v46 =	vmov s3;
	v38 =	vmul.f32 v25, v19;
	v25 =	vbroadcast v24, $0x0;
	v45 =	vld.idx.msk [tilespmem:v37+s17+$0x0], $0xffff  }
0xdf: {  	v24 =	vor.u32 v1, v29;
	[tilespmem:s30+$0xA0] =	vst v22;
	v49 =	vld.idx.msk [tilespmem:v18+s17+$0x0], $0xffff;
	v18 =	vand.u32 $0x3C, v46  }
0xe0: {  	[tilespmem:s30+$0xFFFFFFA0] =	vst v38;
	v32 =	vmul.f32 v32, v19;
	v44 =	vor.u32 v1, v25;
	v22 =	vld.idx.msk [tilespmem:v34+s17+$0x0], $0xffff;
	v18 =	vbroadcast v18, $0x0  }
0xe1: {  	v40 =	vor.u32 v8, v30;
	v63 =	vld.idx.msk [tilespmem:v36+s17+$0x0], $0xffff  }
0xe2: {  	[tilespmem:s30+$0xFFFFFF20] =	vst v32;
	v34 =	vld.idx.msk [tilespmem:v62+s17+$0x0], $0xffff;
	v51 =	vor.u32 v1, v18  }
0xe3: {  	v48 =	vor.u32 v8, v26;
	v47 =	vld.idx.msk [tilespmem:v39+s17+$0x0], $0xffff;
	v36 =	vmul.f32 v45, v17  }
0xe4: {  	v50 =	vor.u32 v8, v31;
	v24 =	vld.idx.msk [tilespmem:v24+s17+$0x0], $0xffff  }
0xe5: {  	v43 =	vor.u32 v5, v20;
	v42 =	vld.idx.msk [tilespmem:v44+s17+$0x0], $0xffff;
	v22 =	vmul.f32 v22, v17;
	[tilespmem:s30+$0x30] =	vst v36  }
0xe6: {  	v53 =	vor.u32 v5, v28;
	v35 =	vmul.f32 v63, v17;
	v54 =	vld.idx.msk [tilespmem:v40+s17+$0x0], $0xffff  }
0xe7: {  	v41 =	vor.u32 v8, v27;
	v39 =	vmul.f32 v49, v23;
	[tilespmem:s30+$0xB0] =	vst v22;
	v33 =	vld.idx.msk [tilespmem:v51+s17+$0x0], $0xffff  }
0xe8: {  	s29 =	simm.s32 $0xB5C0;
	v52 =	vor.u32 v5, v29;
	v34 =	vmul.f32 v34, v23;
	[tilespmem:s30+$0xFFFFFFB0] =	vst v35;
	v22 =	vld.idx.msk [tilespmem:v48+s17+$0x0], $0xffff  }
0xe9: {  	v55 =	vor.u32 v5, v25;
	[tilespmem:s29+$0xFFFFFF00] =	vst v39;
	v37 =	vmul.f32 v47, v17;
	v32 =	vld.idx.msk [tilespmem:v50+s17+$0x0], $0xffff  }
0xea: {  	v59 =	vor.u32 v9, v30;
	v24 =	vmul.f32 v24, v23;
	[tilespmem:s29+$0xFFFFFF80] =	vst v34;
	v48 =	vld.idx.msk [tilespmem:v43+s17+$0x0], $0xffff  }
0xeb: {  	v56 =	vor.u32 v9, v26;
	[tilespmem:s30+$0xFFFFFF30] =	vst v37;
	v42 =	vmul.f32 v42, v23;
	v36 =	vld.idx.msk [tilespmem:v53+s17+$0x0], $0xffff  }
0xec: {  	s3 =	simm.s32 $0x9;
	[tilespmem:s29+$0x80] =	vst v24;
	v24 =	vor.u32 v9, v31;
	v37 =	vld.idx.msk [tilespmem:v41+s17+$0x0], $0xffff;
	v61 =	vmul.f32 v54, v16  }
0xed: {  	v46 =	vor.u32 v6, v20;
	v44 =	vmov s3;
	v57 =	vld.idx.msk [tilespmem:v52+s17+$0x0], $0xffff;
	[tilespmem:s29+$0x0] =	vst v42;
	v58 =	vmul.f32 v22, v16  }
0xee: {  	v44 =	vand.u32 $0x3D, v44;
	v50 =	vor.u32 v6, v28;
	v40 =	vld.idx.msk [tilespmem:v55+s17+$0x0], $0xffff;
	v32 =	vmul.f32 v32, v16;
	[tilespmem:s30+$0x40] =	vst v61  }
0xef: {  	v60 =	vor.u32 v9, v27;
	v22 =	vbroadcast v44, $0x0;
	v41 =	vmul.f32 v48, v21;
	[tilespmem:s30+$0xC0] =	vst v58;
	v52 =	vld.idx.msk [tilespmem:v59+s17+$0x0], $0xffff  }
0xf0: {  	v49 =	vor.u32 v6, v29;
	v36 =	vmul.f32 v36, v21;
	[tilespmem:s30+$0xFFFFFFC0] =	vst v32;
	v63 =	vld.idx.msk [tilespmem:v56+s17+$0x0], $0xffff  }
0xf1: {  	v62 =	vor.u32 v1, v22;
	v37 =	vmul.f32 v37, v16;
	[tilespmem:s29+$0xFFFFFF10] =	vst v41;
	v45 =	vld.idx.msk [tilespmem:v24+s17+$0x0], $0xffff  }
0xf2: {  	v51 =	vor.u32 v6, v25;
	v24 =	vmul.f32 v57, v21;
	[tilespmem:s29+$0xFFFFFF90] =	vst v36;
	v61 =	vld.idx.msk [tilespmem:v46+s17+$0x0], $0xffff  }
0xf3: {  	s3 =	simm.s32 $0xA;
	v53 =	vor.u32 v10, v26;
	v57 =	vor.u32 v10, v30;
	[tilespmem:s30+$0xFFFFFF40] =	vst v37;
	v32 =	vld.idx.msk [tilespmem:v50+s17+$0x0], $0xffff  }
0xf4: {  	v54 =	vmov s3;
	v33 =	vmul.f32 v33, v23;
	v40 =	vmul.f32 v40, v21;
	v37 =	vld.idx.msk [tilespmem:v60+s17+$0x0], $0xffff;
	[tilespmem:s29+$0x90] =	vst v24  }
0xf5: {  	v56 =	vor.u32 v10, v31;
	v24 =	vand.u32 $0x3E, v54;
	v55 =	vld.idx.msk [tilespmem:v49+s17+$0x0], $0xffff;
	v34 =	vmul.f32 v52, v15  }
0xf6: {  	v24 =	vbroadcast v24, $0x0;
	[tilespmem:s29+$0x10] =	vst v40;
	v38 =	vld.idx.msk [tilespmem:v62+s17+$0x0], $0xffff;
	v52 =	vor.u32 v7, v20;
	v39 =	vmul.f32 v63, v15  }
0xf7: {  	s3 =	simm.s32 $0xB;
	v58 =	vor.u32 v10, v27;
	v35 =	vld.idx.msk [tilespmem:v51+s17+$0x0], $0xffff;
	v45 =	vmul.f32 v45, v15;
	[tilespmem:s30+$0x50] =	vst v34  }
0xf8: {  	v48 =	vmov s3;
	v59 =	vor.u32 v1, v24;
	v42 =	vmul.f32 v61, v19;
	[tilespmem:s30+$0xD0] =	vst v39;
	v49 =	vld.idx.msk [tilespmem:v57+s17+$0x0], $0xffff  }
0xf9: {  	v63 =	vor.u32 v7, v28;
	v34 =	vand.u32 $0x3F, v48;
	v37 =	vmul.f32 v37, v15;
	[tilespmem:s30+$0xFFFFFFD0] =	vst v45;
	v60 =	vld.idx.msk [tilespmem:v53+s17+$0x0], $0xffff  }
0xfa: {  	v62 =	vor.u32 v7, v29;
	v51 =	vor.u32 v11, v26;
	v26 =	vbroadcast v34, $0x0;
	[tilespmem:s29+$0xFFFFFF20] =	vst v42;
	v43 =	vld.idx.msk [tilespmem:v56+s17+$0x0], $0xffff  }
0xfb: {  	s31 =	simm.s32 $0xB7C0;
	v47 =	vor.u32 v7, v25;
	v32 =	vmul.f32 v32, v19;
	[tilespmem:s30+$0xFFFFFF50] =	vst v37;
	v34 =	vld.idx.msk [tilespmem:v52+s17+$0x0], $0xffff  }
0xfc: {  	[tilespmem:s31+$0xFFFFFF00] =	vst v33;
	v36 =	vmul.f32 v55, v19;
	v55 =	vor.u32 v1, v26;
	v50 =	vld.idx.msk [tilespmem:v58+s17+$0x0], $0xffff  }
0xfd: {  	v30 =	vor.u32 v11, v30;
	[tilespmem:s29+$0xFFFFFFA0] =	vst v32;
	v35 =	vmul.f32 v35, v19;
	v39 =	vld.idx.msk [tilespmem:v59+s17+$0x0], $0xffff  }
0xfe: {  	v56 =	vor.u32 v11, v27;
	[tilespmem:s29+$0xA0] =	vst v36;
	v45 =	vld.idx.msk [tilespmem:v63+s17+$0x0], $0xffff;
	v27 =	vmul.f32 v49, v14  }
0xff: {  	v31 =	vor.u32 v11, v31;
	v53 =	vld.idx.msk [tilespmem:v62+s17+$0x0], $0xffff;
	[tilespmem:s29+$0x20] =	vst v35;
	v54 =	vmul.f32 v60, v14  }
0x100: {  	v63 =	vor.u32 v8, v20;
	v35 =	vld.idx.msk [tilespmem:v47+s17+$0x0], $0xffff;
	v43 =	vmul.f32 v43, v14;
	[tilespmem:s30+$0x60] =	vst v27  }
0x101: {  	v61 =	vor.u32 v8, v25;
	v41 =	vld.idx.msk [tilespmem:v55+s17+$0x0], $0xffff;
	v34 =	vmul.f32 v34, v17;
	[tilespmem:s30+$0xE0] =	vst v54  }
0x102: {  	v60 =	vor.u32 v8, v28;
	v40 =	vmul.f32 v50, v14;
	[tilespmem:s30+$0xFFFFFFE0] =	vst v43;
	v46 =	vld.idx.msk [tilespmem:v30+s17+$0x0], $0xffff  }
0x103: {  	s3 =	simm.s32 $0xC;
	v59 =	vor.u32 v8, v29;
	v62 =	vmul.f32 v45, v17;
	v57 =	vld.idx.msk [tilespmem:v51+s17+$0x0], $0xffff;
	[tilespmem:s29+$0xFFFFFF30] =	vst v34  }
0x104: {  	v52 =	vor.u32 v5, v22;
	v58 =	vmov s3;
	v54 =	vmul.f32 v38, v23;
	v31 =	vld.idx.msk [tilespmem:v31+s17+$0x0], $0xffff;
	[tilespmem:s30+$0xFFFFFF60] =	vst v40  }
0x105: {  	v42 =	vand.u32 $0x3C, v58;
	v39 =	vmul.f32 v39, v23;
	v32 =	vmul.f32 v53, v17;
	[tilespmem:s29+$0xFFFFFFB0] =	vst v62;
	v55 =	vld.idx.msk [tilespmem:v63+s17+$0x0], $0xffff  }
0x106: {  	v27 =	vbroadcast v42, $0x0;
	v53 =	vor.u32 v5, v24;
	v30 =	vmul.f32 v35, v17;
	[tilespmem:s31+$0xFFFFFF80] =	vst v54;
	v35 =	vld.idx.msk [tilespmem:v56+s17+$0x0], $0xffff  }
0x107: {  	v51 =	vor.u32 v5, v26;
	[tilespmem:s29+$0xB0] =	vst v32;
	v43 =	vld.idx.msk [tilespmem:v60+s17+$0x0], $0xffff  }
0x108: {  	v48 =	vor.u32 v1, v27;
	[tilespmem:s31+$0x0] =	vst v39;
	v50 =	vld.idx.msk [tilespmem:v59+s17+$0x0], $0xffff  }
0x109: {  	v62 =	vor.u32 v9, v20;
	v44 =	vld.idx.msk [tilespmem:v52+s17+$0x0], $0xffff;
	[tilespmem:s29+$0x30] =	vst v30;
	v41 =	vmul.f32 v41, v23  }
0x10a: {  	v49 =	vmul.f32 v57, v13;
	v30 =	vmul.f32 v31, v13;
	v31 =	vld.idx.msk [tilespmem:v61+s17+$0x0], $0xffff;
	v57 =	vor.u32 v5, v18  }
0x10b: {  	s3 =	simm.s32 $0xD;
	v56 =	vor.u32 v9, v29;
	[tilespmem:s31+$0x80] =	vst v41;
	v36 =	vld.idx.msk [tilespmem:v53+s17+$0x0], $0xffff;
	v38 =	vmul.f32 v55, v16  }
0x10c: {  	v58 =	vor.u32 v9, v28;
	v59 =	vld.idx.msk [tilespmem:v51+s17+$0x0], $0xffff;
	[tilespmem:s30+$0xFFFFFFF0] =	vst v30;
	v30 =	vmov s3  }
0x10d: {  	v60 =	vor.u32 v9, v25;
	v32 =	vld.idx.msk [tilespmem:v48+s17+$0x0], $0xffff;
	v30 =	vand.u32 $0x3D, v30;
	v37 =	vmul.f32 v50, v16;
	[tilespmem:s29+$0xFFFFFF40] =	vst v38  }
0x10e: {  	v48 =	vor.u32 v6, v24;
	[tilespmem:s30+$0xF0] =	vst v49;
	v61 =	vmul.f32 v43, v16;
	v30 =	vbroadcast v30, $0x0;
	v49 =	vld.idx.msk [tilespmem:v62+s17+$0x0], $0xffff  }
0x10f: {  	v54 =	vor.u32 v6, v26;
	[tilespmem:s29+$0xC0] =	vst v37;
	v31 =	vmul.f32 v31, v16;
	v53 =	vld.idx.msk [tilespmem:v57+s17+$0x0], $0xffff  }
0x110: {  	[tilespmem:s29+$0xFFFFFFC0] =	vst v61;
	v36 =	vmul.f32 v36, v21;
	v63 =	vor.u32 v1, v30;
	v52 =	vld.idx.msk [tilespmem:v56+s17+$0x0], $0xffff  }
0x111: {  	v57 =	vld.idx.msk [tilespmem:v58+s17+$0x0], $0xffff;
	v56 =	vor.u32 v6, v22;
	[tilespmem:s29+$0x40] =	vst v31;
	v31 =	vmul.f32 v59, v21  }
0x112: {  	v55 =	vmul.f32 v46, v13;
	s3 =	simm.s32 $0xE;
	v61 =	vor.u32 v6, v18;
	[tilespmem:s31+$0x10] =	vst v36;
	v58 =	vld.idx.msk [tilespmem:v60+s17+$0x0], $0xffff  }
0x113: {  	v59 =	vmul.f32 v44, v21;
	v60 =	vor.u32 v10, v29;
	v42 =	vld.idx.msk [tilespmem:v48+s17+$0x0], $0xffff;
	[tilespmem:s31+$0x90] =	vst v31;
	v31 =	vmov s3  }
0x114: {  	[tilespmem:s30+$0x70] =	vst v55;
	v62 =	vor.u32 v10, v28;
	v41 =	vld.idx.msk [tilespmem:v54+s17+$0x0], $0xffff;
	v31 =	vand.u32 $0x3E, v31;
	v50 =	vmul.f32 v53, v21  }
0x115: {  	v43 =	vor.u32 v10, v25;
	[tilespmem:s31+$0xFFFFFF90] =	vst v59;
	v34 =	vld.idx.msk [tilespmem:v63+s17+$0x0], $0xffff;
	v33 =	vmul.f32 v52, v15;
	v31 =	vbroadcast v31, $0x0  }
0x116: {  	v40 =	vor.u32 v10, v20;
	v47 =	vmul.f32 v57, v15;
	v45 =	vld.idx.msk [tilespmem:v56+s17+$0x0], $0xffff;
	[tilespmem:s31+$0xFFFFFF10] =	vst v50  }
0x117: {  	[tilespmem:s29+$0xD0] =	vst v33;
	v63 =	vmul.f32 v58, v15;
	v46 =	vor.u32 v1, v31;
	v38 =	vld.idx.msk [tilespmem:v61+s17+$0x0], $0xffff  }
0x118: {  	v36 =	vor.u32 v7, v26;
	[tilespmem:s29+$0xFFFFFFD0] =	vst v47;
	v47 =	vmul.f32 v49, v15;
	v44 =	vld.idx.msk [tilespmem:v60+s17+$0x0], $0xffff  }
0x119: {  	s0 =	simm.s32 $0x10;
	v35 =	vmul.f32 v35, v13;
	v37 =	vor.u32 v7, v22;
	s3 =	simm.s32 $0xF;
	v39 =	vld.idx.msk [tilespmem:v62+s17+$0x0], $0xffff;
	[tilespmem:s29+$0x50] =	vst v63  }
.LBB2_8:
0x11a: {  	p0 =	slt.u32 s0, $0x3C;
	v33 =	vmov s3;
	v48 =	vor.u32 v7, v24;
	v41 =	vmul.f32 v41, v19;
	[tilespmem:s29+$0xFFFFFF50] =	vst v47;
	v43 =	vld.idx.msk [tilespmem:v43+s17+$0x0], $0xffff  }
0x11b: {  	v45 =	vmul.f32 v45, v19;
	v47 =	vor.u32 v11, v29;
	v33 =	vand.u32 $0x3F, v33;
	v40 =	vld.idx.msk [tilespmem:v40+s17+$0x0], $0xffff;
	[tilespmem:s30+$0xFFFFFF70] =	vst v35;
	s30 =	smov.u32 s29;
	s29 =	smov.u32 s31  }
0x11c: {  	v42 =	vmul.f32 v42, v19;
	v35 =	vld.idx.msk [tilespmem:v46+s17+$0x0], $0xffff;
	v33 =	vbroadcast v33, $0x0;
	v46 =	vor.u32 v7, v18;
	[tilespmem:s31+$0xA0] =	vst v41  }
0x11d: {  	v29 =	vmov v26;
	v41 =	vor.u32 v11, v28;
	[tilespmem:s31+$0xFFFFFFA0] =	vst v45;
	v36 =	vld.idx.msk [tilespmem:v36+s17+$0x0], $0xffff;
	v45 =	vmul.f32 v44, v14  }
0x11e: {  	v38 =	vmul.f32 v38, v19;
	v44 =	vor.u32 v1, v33;
	v37 =	vld.idx.msk [tilespmem:v37+s17+$0x0], $0xffff;
	[tilespmem:s31+$0x20] =	vst v42;
	v26 =	vmov v33  }
0x11f: {  	v28 =	vmov v22;
	v39 =	vmul.f32 v39, v14;
	v42 =	vor.u32 v11, v25;
	v33 =	vld.idx.msk [tilespmem:v48+s17+$0x0], $0xffff;
	[tilespmem:s30+$0xE0] =	vst v45  }
0x120: {  	v48 =	vmul.f32 v43, v14;
	[tilespmem:s31+$0xFFFFFF20] =	vst v38;
	v38 =	vor.u32 v11, v20;
	v43 =	vld.idx.msk [tilespmem:v47+s17+$0x0], $0xffff;
	v20 =	vmov v18  }
0x121: {  	v47 =	vmov s0;
	v40 =	vmul.f32 v40, v14;
	v18 =	vmovc v27;
	v45 =	vld.idx.msk [tilespmem:v46+s17+$0x0], $0xffff;
	v46 =	vor.u32 v8, v29;
	[tilespmem:s30+$0xFFFFFFE0] =	vst v39  }
0x122: {  	v22 =	vmovc v30;
	v25 =	vmov v24;
	v27 =	vand.u32 $0x3C, v47;
	v39 =	vor.u32 v8, v28;
	v41 =	vld.idx.msk [tilespmem:v41+s17+$0x0], $0xffff;
	[tilespmem:s30+$0x60] =	vst v48  }
0x123: {  	v27 =	vbroadcast v27, $0x0;
	v48 =	vmul.f32 v36, v17;
	v30 =	vld.idx.msk [tilespmem:v44+s17+$0x0], $0xffff;
	v44 =	vor.u32 v8, v25;
	[tilespmem:s30+$0xFFFFFF60] =	vst v40  }
0x124: {  	v36 =	vor.u32 v5, v18;
	v40 =	vor.u32 v8, v20;
	v37 =	vmul.f32 v37, v17;
	v42 =	vld.idx.msk [tilespmem:v42+s17+$0x0], $0xffff  }
0x125: {  	v24 =	vmov v31;
	v47 =	vor.u32 v1, v27;
	v33 =	vmul.f32 v33, v17;
	[tilespmem:s31+$0xB0] =	vst v48;
	v38 =	vld.idx.msk [tilespmem:v38+s17+$0x0], $0xffff  }
0x126: {  	v31 =	vor.u32 v9, v28;
	v43 =	vmul.f32 v43, v13;
	[tilespmem:s31+$0xFFFFFFB0] =	vst v37;
	v37 =	vld.idx.msk [tilespmem:v46+s17+$0x0], $0xffff  }
0x127: {  	v46 =	vor.u32 v5, v26;
	v45 =	vmul.f32 v45, v17;
	v39 =	vld.idx.msk [tilespmem:v39+s17+$0x0], $0xffff;
	[tilespmem:s31+$0x30] =	vst v33  }
0x128: {  	v33 =	vor.u32 v5, v22;
	v41 =	vmul.f32 v41, v13;
	v44 =	vld.idx.msk [tilespmem:v44+s17+$0x0], $0xffff;
	[tilespmem:s30+$0xF0] =	vst v43  }
0x129: {  	s3 =	sadd.s32 $0x1, s0;
	v34 =	vmul.f32 v34, v23;
	v43 =	vor.u32 v5, v24;
	v30 =	vmul.f32 v30, v23;
	[tilespmem:s31+$0xFFFFFF30] =	vst v45  }
0x12a: {  	v48 =	vor.u32 v9, v29;
	v45 =	vmov s3;
	s31 =	sadd.s32 $0x200, s31;
	v40 =	vld.idx.msk [tilespmem:v40+s17+$0x0], $0xffff;
	[tilespmem:s30+$0xFFFFFFF0] =	vst v41;
	v41 =	vmul.f32 v42, v13  }
0x12b: {  	v45 =	vand.u32 $0x3D, v45;
	v42 =	vld.idx.msk [tilespmem:v47+s17+$0x0], $0xffff;
	v47 =	vmul.f32 v35, v23;
	[tilespmem:s31+$0x80] =	vst v30;
	v35 =	vmul.f32 v38, v13  }
0x12c: {  	v30 =	vbroadcast v45, $0x0;
	v38 =	vor.u32 v9, v25;
	v37 =	vmul.f32 v37, v16;
	[tilespmem:s31+$0xFFFFFF80] =	vst v34;
	v34 =	vld.idx.msk [tilespmem:v46+s17+$0x0], $0xffff  }
0x12d: {  	v32 =	vmul.f32 v32, v23;
	v39 =	vmul.f32 v39, v16;
	v33 =	vld.idx.msk [tilespmem:v33+s17+$0x0], $0xffff;
	[tilespmem:s31+$0x0] =	vst v47  }
0x12e: {  	v45 =	vor.u32 v9, v20;
	v44 =	vmul.f32 v44, v16;
	v43 =	vld.idx.msk [tilespmem:v43+s17+$0x0], $0xffff;
	[tilespmem:s29+$0xC0] =	vst v37  }
0x12f: {  	v37 =	vor.u32 v1, v30;
	[tilespmem:s31+$0xFFFFFF00] =	vst v32;
	v46 =	vld.idx.msk [tilespmem:v48+s17+$0x0], $0xffff  }
0x130: {  	v47 =	vor.u32 v6, v26;
	v40 =	vmul.f32 v40, v16;
	v36 =	vld.idx.msk [tilespmem:v36+s17+$0x0], $0xffff;
	[tilespmem:s29+$0xFFFFFFC0] =	vst v39  }
0x131: {  	v39 =	vor.u32 v6, v22;
	v32 =	vmov v42;
	v48 =	vld.idx.msk [tilespmem:v31+s17+$0x0], $0xffff;
	[tilespmem:s29+$0x40] =	vst v44  }
0x132: {  	v42 =	vor.u32 v6, v24;
	v31 =	vmul.f32 v34, v21;
	[tilespmem:s29+$0xFFFFFF40] =	vst v40;
	v38 =	vld.idx.msk [tilespmem:v38+s17+$0x0], $0xffff  }
0x133: {  	s3 =	sadd.s32 $0x2, s0;
	v44 =	vor.u32 v10, v29;
	v33 =	vmul.f32 v33, v21;
	v49 =	vld.idx.msk [tilespmem:v45+s17+$0x0], $0xffff;
	[tilespmem:s30+$0x70] =	vst v41  }
0x134: {  	v50 =	vor.u32 v6, v18;
	v40 =	vmul.f32 v43, v21;
	v34 =	vld.idx.msk [tilespmem:v37+s17+$0x0], $0xffff;
	v37 =	vmov s3;
	[tilespmem:s31+$0x90] =	vst v31  }
0x135: {  	v31 =	vand.u32 $0x3E, v37;
	[tilespmem:s31+$0xFFFFFF90] =	vst v33;
	v41 =	vld.idx.msk [tilespmem:v47+s17+$0x0], $0xffff;
	v33 =	vor.u32 v10, v28;
	v37 =	vmul.f32 v46, v15  }
.Ltmp3:
0x136: {  	v43 =	vor.u32 v10, v25;
	v36 =	vmul.f32 v36, v21;
	v31 =	vbroadcast v31, $0x0;
	v45 =	vld.idx.msk [tilespmem:v39+s17+$0x0], $0xffff;
	[tilespmem:s31+$0x10] =	vst v40;
	(pc) =	sbr.rel @p0 .LBB2_8-.Ltmp3, $4  }
0x137: {  	v40 =	vor.u32 v10, v20;
	v39 =	vmul.f32 v48, v15;
	v42 =	vld.idx.msk [tilespmem:v42+s17+$0x0], $0xffff;
	[tilespmem:s29+$0xD0] =	vst v37  }
0x138: {  	v48 =	vmul.f32 v38, v15;
	v46 =	vor.u32 v1, v31;
	[tilespmem:s31+$0xFFFFFF10] =	vst v36;
	v44 =	vld.idx.msk [tilespmem:v44+s17+$0x0], $0xffff  }
0x139: {  	v36 =	vor.u32 v7, v26;
	v47 =	vmul.f32 v49, v15;
	v38 =	vld.idx.msk [tilespmem:v50+s17+$0x0], $0xffff;
	[tilespmem:s29+$0xFFFFFFD0] =	vst v39  }
0x13a: {  	s3 =	sadd.s32 $0x3, s0;
	s0 =	sadd.s32 $0x4, s0;
	v37 =	vor.u32 v7, v22;
	v39 =	vld.idx.msk [tilespmem:v33+s17+$0x0], $0xffff;
	[tilespmem:s29+$0x50] =	vst v48  }
0x13b: {  	v33 =	vmov s3  }
0x13c: {  	v33 =	vand.u32 $0x3F, v33  }
0x13d: {  	v33 =	vbroadcast v33, $0x0;
	_ =	sdelay $0x1  }
0x13e: {  	v48 =	vor.u32 v1, v33;
	_ =	sdelay $0x3  }
0x13f: {  	v55 =	vld.idx.msk [tilespmem:v46+s17+$0x0], $0xffff;
	v57 =	vor.u32 v5, v30  }
0x140: {  	v41 =	vmul.f32 v41, v19;
	[tilespmem:s29+$0xFFFFFF50] =	vst v47;
	v48 =	vld.idx.msk [tilespmem:v48+s17+$0x0], $0xffff  }
0x141: {  	[tilespmem:s30+$0xFFFFFF70] =	vst v35;
	v34 =	vmul.f32 v34, v23  }
0x142: {  	v45 =	vmul.f32 v45, v19;
	v58 =	vor.u32 v5, v31;
	s3 =	sadd.s32 $0x200, s31;
	[tilespmem:s31+$0xA0] =	vst v41  }
0x143: {  	v62 =	vmul.f32 v32, v23;
	[tilespmem:s3+$0xFFFFFF80] =	vst v34;
	v56 =	vor.u32 v5, v33  }
0x144: {  	v60 =	vor.u32 v5, v27;
	[tilespmem:s31+$0xFFFFFFA0] =	vst v45;
	v35 =	vmul.f32 v55, v23;
	v45 =	vld.idx.msk [tilespmem:v57+s17+$0x0], $0xffff  }
0x145: {  	v40 =	vld.idx.msk [tilespmem:v40+s17+$0x0], $0xffff;
	[tilespmem:s3+$0xFFFFFF00] =	vst v62;
	v59 =	vmul.f32 v48, v23  }
0x146: {  	v63 =	vor.u32 v7, v24;
	v42 =	vmul.f32 v42, v19;
	v36 =	vld.idx.msk [tilespmem:v36+s17+$0x0], $0xffff;
	[tilespmem:s3+$0x0] =	vst v35  }
0x147: {  	v51 =	vor.u32 v6, v30;
	v44 =	vmul.f32 v44, v14;
	v47 =	vld.idx.msk [tilespmem:v58+s17+$0x0], $0xffff;
	[tilespmem:s3+$0x80] =	vst v59  }
0x148: {  	v29 =	vor.u32 v11, v29;
	[tilespmem:s31+$0x20] =	vst v42;
	v38 =	vmul.f32 v38, v19;
	v61 =	vld.idx.msk [tilespmem:v56+s17+$0x0], $0xffff  }
0x149: {  	v28 =	vor.u32 v11, v28;
	[tilespmem:s29+$0xE0] =	vst v44;
	v49 =	vld.idx.msk [tilespmem:v60+s17+$0x0], $0xffff;
	v53 =	vmul.f32 v45, v21  }
0x14a: {  	v52 =	vor.u32 v6, v31;
	v37 =	vld.idx.msk [tilespmem:v37+s17+$0x0], $0xffff;
	v46 =	vmul.f32 v39, v14;
	[tilespmem:s31+$0xFFFFFF20] =	vst v38  }
0x14b: {  	v50 =	vor.u32 v6, v33;
	v32 =	vld.idx.msk [tilespmem:v63+s17+$0x0], $0xffff;
	v40 =	vmul.f32 v40, v14;
	[tilespmem:s3+$0xFFFFFF90] =	vst v53  }
0x14c: {  	v54 =	vor.u32 v6, v27;
	[tilespmem:s29+$0xFFFFFFE0] =	vst v46;
	v39 =	vmul.f32 v47, v21;
	v35 =	vld.idx.msk [tilespmem:v51+s17+$0x0], $0xffff  }
0x14d: {  	v29 =	vld.idx.msk [tilespmem:v29+s17+$0x0], $0xffff;
	[tilespmem:s29+$0xFFFFFF60] =	vst v40;
	v34 =	vmul.f32 v61, v21  }
0x14e: {  	v28 =	vld.idx.msk [tilespmem:v28+s17+$0x0], $0xffff;
	[tilespmem:s3+$0x10] =	vst v39;
	v56 =	vmul.f32 v49, v21  }
0x14f: {  	v63 =	vor.u32 v7, v30;
	v36 =	vmul.f32 v36, v17;
	v23 =	vld.idx.msk [tilespmem:v52+s17+$0x0], $0xffff;
	[tilespmem:s3+$0x90] =	vst v34  }
0x150: {  	v57 =	vor.u32 v8, v26;
	v37 =	vmul.f32 v37, v17;
	[tilespmem:s3+$0xFFFFFF10] =	vst v56;
	v34 =	vld.idx.msk [tilespmem:v50+s17+$0x0], $0xffff  }
0x151: {  	v55 =	vor.u32 v7, v18;
	[tilespmem:s31+$0xB0] =	vst v36;
	v45 =	vmul.f32 v35, v19;
	v60 =	vld.idx.msk [tilespmem:v54+s17+$0x0], $0xffff  }
0x152: {  	v43 =	vld.idx.msk [tilespmem:v43+s17+$0x0], $0xffff;
	v44 =	vor.u32 v7, v31;
	[tilespmem:s31+$0xFFFFFFB0] =	vst v37;
	v29 =	vmul.f32 v29, v13  }
0x153: {  	v53 =	vmul.f32 v28, v13;
	[tilespmem:s3+$0xFFFFFFA0] =	vst v45;
	v61 =	vor.u32 v7, v33  }
0x154: {  	v46 =	vor.u32 v7, v27;
	[tilespmem:s29+$0xF0] =	vst v29;
	v23 =	vmul.f32 v23, v19;
	v52 =	vld.idx.msk [tilespmem:v63+s17+$0x0], $0xffff  }
0x155: {  	v58 =	vor.u32 v8, v22;
	v38 =	vld.idx.msk [tilespmem:v57+s17+$0x0], $0xffff;
	[tilespmem:s29+$0xFFFFFFF0] =	vst v53;
	v34 =	vmul.f32 v34, v19  }
0x156: {  	v62 =	vld.idx.msk [tilespmem:v55+s17+$0x0], $0xffff;
	v47 =	vor.u32 v8, v24;
	[tilespmem:s3+$0x20] =	vst v23;
	v50 =	vmul.f32 v60, v19  }
0x157: {  	v48 =	vmul.f32 v43, v14;
	v21 =	vld.idx.msk [tilespmem:v44+s17+$0x0], $0xffff;
	v60 =	vor.u32 v8, v30;
	[tilespmem:s3+$0xA0] =	vst v34  }
0x158: {  	v59 =	vmul.f32 v32, v17;
	v54 =	vor.u32 v9, v26;
	[tilespmem:s3+$0xFFFFFF20] =	vst v50;
	v49 =	vld.idx.msk [tilespmem:v61+s17+$0x0], $0xffff  }
0x159: {  	[tilespmem:s29+$0x60] =	vst v48;
	v48 =	vor.u32 v8, v18;
	v36 =	vmul.f32 v52, v17;
	v56 =	vld.idx.msk [tilespmem:v46+s17+$0x0], $0xffff  }
0x15a: {  	v39 =	vld.idx.msk [tilespmem:v58+s17+$0x0], $0xffff;
	v55 =	vmul.f32 v38, v16;
	[tilespmem:s31+$0x30] =	vst v59;
	v61 =	vor.u32 v8, v31  }
0x15b: {  	v57 =	vor.u32 v8, v33;
	v51 =	vmul.f32 v62, v17;
	v58 =	vld.idx.msk [tilespmem:v47+s17+$0x0], $0xffff;
	[tilespmem:s3+$0xFFFFFFB0] =	vst v36  }
0x15c: {  	v62 =	vor.u32 v8, v27;
	[tilespmem:s31+$0xC0] =	vst v55;
	v21 =	vmul.f32 v21, v17;
	v46 =	vld.idx.msk [tilespmem:v60+s17+$0x0], $0xffff  }
0x15d: {  	v25 =	vor.u32 v11, v25;
	[tilespmem:s31+$0xFFFFFF30] =	vst v51;
	v28 =	vld.idx.msk [tilespmem:v54+s17+$0x0], $0xffff;
	v29 =	vmul.f32 v49, v17  }
0x15e: {  	v63 =	vor.u32 v9, v22;
	[tilespmem:s3+$0x30] =	vst v21;
	v34 =	vld.idx.msk [tilespmem:v48+s17+$0x0], $0xffff;
	v43 =	vmul.f32 v56, v17  }
0x15f: {  	v59 =	vmul.f32 v39, v16;
	v52 =	vor.u32 v9, v30;
	v19 =	vld.idx.msk [tilespmem:v61+s17+$0x0], $0xffff;
	[tilespmem:s3+$0xB0] =	vst v29  }
0x160: {  	v42 =	vor.u32 v9, v24;
	v45 =	vmul.f32 v58, v16;
	[tilespmem:s3+$0xFFFFFF30] =	vst v43;
	v35 =	vld.idx.msk [tilespmem:v57+s17+$0x0], $0xffff  }
0x161: {  	[tilespmem:s31+$0xFFFFFFC0] =	vst v59;
	v44 =	vor.u32 v9, v18;
	v54 =	vmul.f32 v46, v16;
	v23 =	vld.idx.msk [tilespmem:v62+s17+$0x0], $0xffff  }
0x162: {  	v53 =	vor.u32 v9, v31;
	v25 =	vld.idx.msk [tilespmem:v25+s17+$0x0], $0xffff;
	[tilespmem:s31+$0x40] =	vst v45;
	v51 =	vmul.f32 v28, v15  }
0x163: {  	v50 =	vld.idx.msk [tilespmem:v63+s17+$0x0], $0xffff;
	v47 =	vmul.f32 v34, v16;
	[tilespmem:s3+$0xFFFFFFC0] =	vst v54;
	v49 =	vor.u32 v9, v33  }
0x164: {  	v55 =	vor.u32 v9, v27;
	[tilespmem:s31+$0xD0] =	vst v51;
	v28 =	vld.idx.msk [tilespmem:v52+s17+$0x0], $0xffff;
	v19 =	vmul.f32 v19, v16  }
0x165: {  	v20 =	vor.u32 v11, v20;
	[tilespmem:s31+$0xFFFFFF40] =	vst v47;
	v29 =	vld.idx.msk [tilespmem:v42+s17+$0x0], $0xffff;
	v35 =	vmul.f32 v35, v16  }
0x166: {  	v56 =	vor.u32 v10, v26;
	v32 =	vld.idx.msk [tilespmem:v44+s17+$0x0], $0xffff;
	v58 =	vmul.f32 v23, v16;
	[tilespmem:s3+$0x40] =	vst v19  }
0x167: {  	v48 =	vmul.f32 v25, v13;
	v57 =	vor.u32 v10, v22;
	v62 =	vld.idx.msk [tilespmem:v53+s17+$0x0], $0xffff;
	[tilespmem:s3+$0xC0] =	vst v35  }
0x168: {  	v41 =	vor.u32 v10, v30;
	v60 =	vmul.f32 v50, v15;
	[tilespmem:s3+$0xFFFFFF40] =	vst v58;
	v25 =	vld.idx.msk [tilespmem:v49+s17+$0x0], $0xffff  }
0x169: {  	[tilespmem:s29+$0x70] =	vst v48;
	v61 =	vor.u32 v10, v18;
	v28 =	vmul.f32 v28, v15;
	v38 =	vld.idx.msk [tilespmem:v55+s17+$0x0], $0xffff  }
0x16a: {  	v20 =	vld.idx.msk [tilespmem:v20+s17+$0x0], $0xffff;
	v59 =	vor.u32 v10, v24;
	[tilespmem:s31+$0xFFFFFFD0] =	vst v60;
	v29 =	vmul.f32 v29, v15  }
0x16b: {  	v43 =	vor.u32 v10, v31;
	v40 =	vld.idx.msk [tilespmem:v56+s17+$0x0], $0xffff;
	v63 =	vmul.f32 v32, v15;
	[tilespmem:s3+$0xFFFFFFD0] =	vst v28  }
0x16c: {  	v39 =	vor.u32 v10, v33;
	[tilespmem:s31+$0x50] =	vst v29;
	v35 =	vld.idx.msk [tilespmem:v57+s17+$0x0], $0xffff;
	v16 =	vmul.f32 v62, v15  }
0x16d: {  	v44 =	vor.u32 v10, v27;
	v28 =	vld.idx.msk [tilespmem:v41+s17+$0x0], $0xffff;
	[tilespmem:s31+$0xFFFFFF50] =	vst v63;
	v42 =	vmul.f32 v25, v15  }
0x16e: {  	v19 =	vld.idx.msk [tilespmem:v61+s17+$0x0], $0xffff;
	[tilespmem:s3+$0x50] =	vst v16;
	v15 =	vmul.f32 v38, v15  }
0x16f: {  	v20 =	vmul.f32 v20, v13;
	v46 =	vor.u32 v11, v22;
	v21 =	vld.idx.msk [tilespmem:v59+s17+$0x0], $0xffff;
	[tilespmem:s3+$0xD0] =	vst v42  }
0x170: {  	v45 =	vor.u32 v11, v26;
	v48 =	vmul.f32 v40, v14;
	[tilespmem:s3+$0xFFFFFF50] =	vst v15;
	v15 =	vld.idx.msk [tilespmem:v43+s17+$0x0], $0xffff  }
0x171: {  	[tilespmem:s29+$0xFFFFFF70] =	vst v20;
	v51 =	vor.u32 v11, v18;
	v50 =	vmul.f32 v35, v14;
	v47 =	vld.idx.msk [tilespmem:v39+s17+$0x0], $0xffff  }
0x172: {  	[tilespmem:s31+$0xE0] =	vst v48;
	v49 =	vor.u32 v11, v24;
	v58 =	vmul.f32 v28, v14;
	v20 =	vld.idx.msk [tilespmem:v44+s17+$0x0], $0xffff  }
0x173: {  	v54 =	vor.u32 v11, v30;
	v19 =	vmul.f32 v19, v14;
	[tilespmem:s31+$0xFFFFFFE0] =	vst v50  }
0x174: {  	v56 =	vor.u32 v11, v31;
	v21 =	vmul.f32 v21, v14;
	[tilespmem:s3+$0xFFFFFFE0] =	vst v58;
	v17 =	vld.idx.msk [tilespmem:v46+s17+$0x0], $0xffff  }
0x175: {  	v52 =	vor.u32 v11, v33;
	v53 =	vld.idx.msk [tilespmem:v45+s17+$0x0], $0xffff;
	[tilespmem:s31+$0xFFFFFF60] =	vst v19;
	v15 =	vmul.f32 v15, v14  }
0x176: {  	v59 =	vor.u32 v11, v27;
	[tilespmem:s31+$0x60] =	vst v21;
	v18 =	vld.idx.msk [tilespmem:v51+s17+$0x0], $0xffff;
	v55 =	vmul.f32 v47, v14  }
0x177: {  	v57 =	vld.idx.msk [tilespmem:v49+s17+$0x0], $0xffff;
	v14 =	vmul.f32 v20, v14;
	[tilespmem:s3+$0x60] =	vst v15  }
0x178: {  	v16 =	vld.idx.msk [tilespmem:v54+s17+$0x0], $0xffff;
	[tilespmem:s3+$0xE0] =	vst v55  }
0x179: {  	v15 =	vmul.f32 v17, v13;
	[tilespmem:s3+$0xFFFFFF60] =	vst v14;
	v14 =	vld.idx.msk [tilespmem:v56+s17+$0x0], $0xffff  }
0x17a: {  	v60 =	vmul.f32 v53, v13;
	v21 =	vld.idx.msk [tilespmem:v52+s17+$0x0], $0xffff  }
0x17b: {  	v62 =	vld.idx.msk [tilespmem:v59+s17+$0x0], $0xffff;
	[tilespmem:s31+$0xFFFFFFF0] =	vst v15;
	v15 =	vmul.f32 v18, v13  }
0x17c: {  	[tilespmem:s31+$0xF0] =	vst v60;
	v61 =	vmul.f32 v57, v13  }
0x17d: {  	[tilespmem:s31+$0xFFFFFF70] =	vst v15;
	v15 =	vmul.f32 v16, v13  }
0x17e: {  	[tilespmem:s31+$0x70] =	vst v61;
	v14 =	vmul.f32 v14, v13  }
0x17f: {  	[tilespmem:s3+$0xFFFFFFF0] =	vst v15;
	v63 =	vmul.f32 v21, v13  }
0x180: {  	s0 =	sadd.s32 s28, s24;
	s26 =	sadd.s32 $0x1, s26;
	v13 =	vmul.f32 v62, v13;
	[tilespmem:s3+$0x70] =	vst v14  }
0x181: {  	s0 =	sshrl.u32 s0, $0x3;
	p0 =	sne.s32 s26, s9;
	[tilespmem:s3+$0xF0] =	vst v63  }
.Ltmp4:
0x182: {  	s0 =	sadd.s32 s2, s0;
	[tilespmem:s3+$0xFFFFFF70] =	vst v13;
	(pc) =	sbr.rel @p0 .LBB2_7-.Ltmp4, $4  }
0x183: {  	[hbm4b:s0+s16] =	stream.strided.scatter [tilespmem:s20], [sflag:$0x2], $0x2000, s19, s16, $0x38;
	[tilespmem:$0xD2D0] =	vst v63  }
0x184: {  	_ =	swait.ge [sflag:s12], $0x2000  }
0x185: {  	[sflag:s12] =	ssyncset.done $0x0  }
0x186: {  	[sflag:s12] =	ssyncadd.s32 $0xFFFFE000  }
0x187: {  	s23 =	sadd.s32 $0x1, s23  }
0x188: {  	p0 =	sne.s32 s23, $0x4  }
.Ltmp5:
0x189: {  	_ = 	snop;
	(pc) =	sbr.rel @p0 .LBB2_2-.Ltmp5, $2  }
0x18a: {  	_ =	sdelay $0x2  }
0x18b: {  	s22 =	sadd.s32 $0x2EE0, s22  }
0x18c: {  	s21 =	sadd.s32 $0x1, s21  }
0x18d: {  	p0 =	sne.s32 s21, s10  }
.Ltmp6:
0x18e: {  	_ = 	snop;
	(pc) =	sbr.rel @p0 .LBB2_1-.Ltmp6, $1  }
0x18f: {  	_ =	sdelay $0x3  }
0x190: {  	_ =	sfence.sel $0x180000  }
0x191: {  	[bflag:$0x0] =	sbarrier.arrive $0xFFFF  }
0x192: {  	_ =	strace $0x90000047  }
0x193: {  	s0 =	stileid.u32;
	[bflag:$0x2] =	sbarrier.arrive $0xFFFF  }
0x194: {  	p0 =	sne.s32 s0, $0x0;
	s0 =	rddreg [dreg:$0x2]  }
0x195: {  	s0 =	sadd.s32 @!p0 $0x100000, s0  }
0x196: {  	[sflag:s0] =	ssyncadd.tile.s32 @!p0 $0x1;
	_ =	shalt  }
.Lfunc_end2:
_tile_overlayer_lowered:
.L_overlay_start_2:
0x197: {  	(tag) =	ssettag $0x2  }
0x198: {  	s0 =	rddreg [dreg:$0x0];
	s2 =	stileid.u32  }
0x199: {  	s1 =	rddreg [dreg:$0x1];
	p0 =	sne.s32 s2, $0x0  }
0x19a: {  	s3 =	rddreg [dreg:$0x2];
	[bflag:$0x3] =	sbarrier.arrive $0xFFFF;
	s2 =	simm.s32 @!p0 $0x1C02  }
0x19b: {  	[timem:s3], [sflag:s2] =	dma.local @!p0 [hbm:s0], s1  }
0x19c: {  	s0 =	simm.s32 @!p0 $0x2  }
0x19d: {  	_ =	swait.ge @!p0 [sflag:s0], s1  }
0x19e: {  	s1 =	ssub.s32 @!p0 $0x0, s1;
	[sflag:s0] =	ssyncset.done @!p0 $0x0  }
0x19f: {  	[sflag:s0] =	ssyncadd.s32 @!p0 s1  }
0x1a0: {  	[bflag:$0x3] =	sbarrier.arrive $0xFFFF  }
0x1a1: {  	_ =	shalt  }

// kernel: sparse-core-data-format-call.cloned.1.call-start
scs
called_computation_lowered:
.L_overlay_start_0:
0x0: {  	s2 =	sld [smem:$0x3FD9]  }
0x1: {  	s3 =	sld [smem:$0x3FFE];
	_ =	sdelay $0x1  }
0x2: {  	s1 =	srdreg.scid  }
0x3: {  	s0 =	sand.u32 $0x1, s1  }
0x4: {  	s18 =	sshll.u32 s0, $0xA;
	s2 =	sadd.s32 s3, s2  }
0x5: {  	s2 =	sadd.s32 s2, s18  }
0x6: {  	[smem:$0x3FC5] =	sst s2  }
0x7: {  	_ = 	snop  }
0x8: {  	s2 =	sld [smem:$0x3FD0];
	(tm) =	ssettm $0x1  }
0x9: {  	s19 =	sld [smem:$0x3FFB];
	_ =	sdelay $0x3  }
0xa: {  	_ =	strace s19  }
0xb: {  	s3 =	sld [smem:$0x3FFC];
	_ =	sdelay $0x3  }
0xc: {  	_ =	strace s3  }
0xd: {  	s3 =	sld [smem:$0x3FFD];
	_ =	sdelay $0x3  }
0xe: {  	_ =	strace s3  }
0xf: {  	_ =	strace $0x8FFFFFFF  }
0x10: {  	s20 =	sld [smem:$0x3FDB];
	_ =	sdelay $0x1  }
0x11: {  	s4 =	simm.s32 $_scs_section_size  }
0x12: {  	s5 =	simm.s32 $_size__tile_overlayer_lowered;
	s6 =	simm.s32 $_tile_overlayer_lowered  }
0x13: {  	s23 =	simm.s32 $0x1BFF;
	s22 =	sshll.u32 s6, $0x1;
	s3 =	sadd.s32 s4, s20  }
0x14: {  	s7 =	simm.s32 $0x0;
	s21 =	sshll.u32 s5, $0x1;
	s5 =	sadd.s32 s22, s3  }
0x15: {  	[timem:s7], [sflag:s23] =	dma.local [hbm:s5], s21  }
0x16: {  	_ =	swait.ge [sflag:s23], s21  }
0x17: {  	s4 =	ssub.s32 $0x0, s21;
	[sflag:s23] =	ssyncset.done $0x0  }
0x18: {  	[sflag:s23] =	ssyncadd.s32 s4;
	_ =	sdelay $0x1  }
0x19: {  	s24 =	simm.s32 $0x1B8B  }
0x1a: {  	_ =	swait.ge [sflag:s24], $0x1  }
0x1b: {  	[sflag:s24] =	ssyncset.done $0x0  }
0x1c: {  	s26 =	simm.s32 $0x1B8E;
	s25 =	sld [smem:$0x3FFE];
	[sflag:s24] =	ssyncadd.s32 $0xFFFFFFFF  }
0x1d: {  	s27 =	simm.s32 $execute0_lowered;
	[smem:$0x3FD2] =	sst s26  }
0x1e: {  	s5 =	sshll.u32 s27, $0x1;
	_ =	strace $0x80000049;
	[dreg:$0x1] =	wrdreg $0xFFFFFFFF  }
0x1f: {  	s28 =	simm.s32 $_size_execute0_lowered;
	s3 =	sadd.s32 s3, s5;
	[dreg:$0x0] =	wrdreg $0x0  }
0x20: {  	s5 =	sshll.u32 s28, $0x1;
	[dreg:$0x2] =	wrdreg s3  }
0x21: {  	[dreg:$0x3] =	wrdreg s5  }
0x22: {  	[dreg:$0x4] =	wrdreg $0xC0  }
0x23: {  	_ =	task [dreg:s7], $0x5FFFF  }
0x24: {  	[dreg:$0x1] =	wrdreg $0xFFFFFFFF  }
0x25: {  	[dreg:$0x0] =	wrdreg $0x60  }
0x26: {  	[dreg:$0x2] =	wrdreg s25  }
0x27: {  	[dreg:$0x3] =	wrdreg s2  }
0x28: {  	[dreg:$0x4] =	wrdreg $0x9  }
0x29: {  	_ =	task.clear_ibuf [dreg:s7], $0x5FFFF;
	_ =	strace $0x90000049  }
0x2a: {  	s29 =	simm.s32 $0x9;
	_ =	strace $0x8000004B  }
0x2b: {  	_ =	swait.ge [sflag:s29], $0x1  }
0x2c: {  	[sflag:s29] =	ssyncadd.s32 $0xFFFFFFFF  }
0x2d: {  	_ =	strace $0x9000004B  }
0x2e: {  	_ =	sfence  }
0x2f: {  	s30 =	sld [smem:$0x0];
	_ =	sdelay $0x2  }
0x30: {  	s31 =	sshll.u32 s1, $0xD;
	s1 =	sshrl.u32 s1, $0x2  }
0x31: {  	s3 =	sand.u32 $0x4000, s31;
	s1 =	sadd.s32 s1, s30  }
0x32: {  	s0 =	sor.u32 s3, s0;
	s1 =	sshll.u32 s1, $0x11  }
0x33: {  	s0 =	sor.u32 s1, s0  }
0x34: {  	s0 =	sadd.s32 $0x8F2B, s0  }
0x35: {  	[sflag:s0] =	ssyncadd.remote.s32 $0x1  }
0x36: {  	_ =	sfence.sel $0xFFFF  }
0x37: {  	[dreg:$0x0] =	wrdreg $0xFFFFFFFF;
	(pc) =	sbr.abs _section_cstart, $3  }
0x38: {  	[dreg:$0x1] =	wrdreg $0xFFFFFFFF  }
0x39: {  	_ =	task.clear_ibuf [dreg:s7], $0x2FFFF;
	_ =	strace $0x9FFFFFFF  }
0x3a: {  	(tm) =	ssettm $0x7FFFFFFF  }
0x3b: {  	_ =	shalt  }
tec
execute0_lowered:
.L_overlay_start_1:
0x0: {  	(tag) =	ssettag $0x1  }
0x1: {  	s0 =	srdreg.scid;
	_ =	strace $0x8000004A  }
0x2: {  	s2 =	stileid.u32;
	s1 =	simm.s32 $0x1;
	s31 =	simm.s32 $0x2  }
0x3: {  	s21 =	simm.s32 $0x0;
	s10 =	simm.s32 $0x1000;
	s20 =	simm.s32 $0x0  }
0x4: {  	s22 =	simm.s32 $0x0;
	s23 =	simm.s32 $0x0;
	s11 =	simm.s32 $0x0  }
0x5: {  	s12 =	simm.s32 $0x0;
	s14 =	simm.s32 $0x0;
	s16 =	simm.s32 $0x0  }
.Ltmp0:
0x6: {  	s15 =	simm.s32 $0x0;
	s0 =	sshll.u32 s0, $0x4;
	(pc) =	sbr.rel .LBB1_1-.Ltmp0, $4  }
0x7: {  	s17 =	simm.s32 $0x0;
	s13 =	simm.s32 $0x0;
	s0 =	sand.u32 $0x10, s0  }
0x8: {  	[sflag:s1] =	ssyncpa.u1 $0x0;
	s8 =	sand.u32 $0x3, s2;
	s0 =	sor.u32 s2, s0  }
0x9: {  	[sflag:s31] =	ssyncpa.u1 $0x0;
	[dreg:$0x3] =	wrdreg s8;
	s9 =	sshrl.u32 s0, $0x2  }
0xa: {  	s19 =	smov.u32 s8;
	s18 =	smov.u32 s9;
	[dreg:$0x4] =	wrdreg s9  }
.LBB1_18:
0xb: {  	s11 =	rddreg [dreg:$0x5]  }
0xc: {  	s12 =	rddreg [dreg:$0x6]  }
0xd: {  	s4 =	rddreg [dreg:$0x13]  }
0xe: {  	s5 =	rddreg [dreg:$0x14]  }
0xf: {  	s23 =	rddreg [dreg:$0x12]  }
0x10: {  	s16 =	rddreg [dreg:$0xa]  }
0x11: {  	s14 =	rddreg [dreg:$0x8]  }
0x12: {  	s27 =	rddreg [dreg:$0x1]  }
0x13: {  	s30 =	rddreg [dreg:$0x15]  }
0x14: {  	s8 =	rddreg [dreg:$0x3]  }
0x15: {  	s9 =	rddreg [dreg:$0x4]  }
0x16: {  	s13 =	rddreg [dreg:$0x7]  }
0x17: {  	s15 =	rddreg [dreg:$0x9]  }
0x18: {  	s17 =	rddreg [dreg:$0xb]  }
0x19: {  	s18 =	rddreg [dreg:$0xc]  }
0x1a: {  	s19 =	rddreg [dreg:$0xd]  }
0x1b: {  	s10 =	simm.s32 $0x1000;
	s20 =	rddreg [dreg:$0xe];
	s0 =	sshll.u32 s11, $0x9  }
0x1c: {  	s1 =	sshll.u32 s12, $0x3;
	s2 =	sshll.u32 s11, $0x7;
	p0 =	sgt.s32 s12, $0x180  }
0x1d: {  	s3 =	smov.u32 s12;
	s24 =	sand.u32 $0x78, s12;
	s25 =	smul.u32 $0x1B0000, s16  }
0x1e: {  	s26 =	smul.u32 $0x6C00, s14;
	s28 =	sand.u32 $0x7, s12;
	s0 =	sand.u32 $0xFFFFF000, s0  }
0x1f: {  	s1 =	sand.u32 $0xFFFFFC00, s1;
	s21 =	sand.u32 $0x200, s2;
	s3 =	simm.s32 @!p0 $0x180  }
0x20: {  	p0 =	sgt.s32 s11, $0x130;
	s2 =	sand.u32 $0x180, s2;
	s29 =	sshll.u32 s28, $0x12  }
0x21: {  	s0 =	sadd.s32 s1, s0;
	s1 =	smov.u32 s11;
	s3 =	sadd.s32 s4, s3  }
0x22: {  	s2 =	sor.u32 s24, s2;
	s31 =	sor.u32 $0x400, s29;
	s0 =	sor.u32 s21, s0  }
0x23: {  	s1 =	simm.s32 @!p0 $0x130;
	s4 =	sadd.s32 $0xFFFFFE80, s3;
	s0 =	sshrl.u32 s0, $0x9  }
0x24: {  	s3 =	ssub.s32 $0x200, s3;
	s2 =	sshrl.u32 s2, $0x3;
	s22 =	smulhi.u32 $0x97B426, s0  }
0x25: {  	s21 =	rddreg [dreg:$0xf];
	s1 =	sadd.s32 s5, s1;
	p0 =	sgt.s32 s4, $0x7F  }
0x26: {  	s5 =	sadd.s32 $0xFFFFFED0, s1;
	s3 =	simm.s32 @p0 $0x0;
	s4 =	smul.u32 $0x1B0, s22  }
0x27: {  	s1 =	ssub.s32 $0x1B0, s1;
	p0 =	sgt.s32 s5, $0x7F;
	s3 =	smul.u32 s23, s3  }
0x28: {  	s1 =	simm.s32 @p0 $0x0;
	s0 =	ssub.s32 s0, s4;
	s4 =	sadd.s32 s27, s25  }
0x29: {  	s23 =	rddreg [dreg:$0x11];
	s1 =	smul.u32 s1, s3;
	s3 =	sadd.s32 s26, s4  }
0x2a: {  	s22 =	rddreg [dreg:$0x10];
	s0 =	sshll.u32 s0, $0x6;
	s2 =	sadd.s32 s2, s3  }
0x2b: {  	s1 =	sand.u32 $0x3FFFFFFF, s1;
	s4 =	sor.u32 $0x8000, s30;
	s0 =	sadd.s32 s0, s2  }
0x2c: {  	[hbm4b:s0+s31] =	stream.strided.scatter [tilespmem:s4], [sflag:$0x2], s1, s10, s31, $0x20;
	[tilespmem:$0x10100] =	vst v63  }
.LBB1_19:
0x2d: {  	p0 =	slt.u32 s13, $0x2  }
0x2e: {  	s0 =	smov.u32 s23;
	s2 =	smov.u32 s22;
	s5 =	smov.u32 s20  }
0x2f: {  	s13 =	sadd.s32 $0x1, s13;
	p1 =	sgt.s32 @!p0 s23, $0x3;
	s1 =	sshra.s32 @!p0 s23, $0x1F  }
0x30: {  	s3 =	sshra.s32 @!p0 s22, $0x1F;
	p3 =	sgt.s32 @!p0 s20, $0x180;
	p1 =	por !p1, p0  }
0x31: {  	s4 =	sshra.s32 @!p0 s20, $0x1F;
	s1 =	sand.u32 @!p0 s1, s23;
	s0 =	simm.s32 @p1 $0x3  }
0x32: {  	s4 =	sand.u32 @!p0 s4, s20;
	p1 =	sgt.s32 @!p0 s22, $0x3F;
	s0 =	ssub.s32 @!p0 s0, s1  }
0x33: {  	s20 =	smov.u32 s12;
	p1 =	por !p1, p0;
	s1 =	sadd.s32 @!p0 $0xFFFFFFFD, s0  }
0x34: {  	s2 =	simm.s32 @p1 $0x3F;
	p2 =	sgt.s32 @!p0 s1, $0x0;
	s1 =	sand.u32 @!p0 s3, s22  }
0x35: {  	s0 =	ssub.s32 @!p0 $0x4, s0;
	p1 =	por !p2, p0;
	s1 =	ssub.s32 @!p0 s2, s1  }
0x36: {  	s3 =	smov.u32 s21;
	s0 =	simm.s32 @!p1 $0x0;
	s2 =	sadd.s32 @!p0 $0xFFFFFFC1, s1  }
0x37: {  	p1 =	sgt.s32 @!p0 s21, $0x130;
	p2 =	sgt.s32 @!p0 s2, $0x0;
	s2 =	sshra.s32 @!p0 s21, $0x1F  }
0x38: {  	s1 =	ssub.s32 @!p0 $0x40, s1;
	p1 =	por !p1, p0;
	s2 =	sand.u32 @!p0 s2, s21  }
0x39: {  	s3 =	simm.s32 @p1 $0x130;
	p1 =	por !p3, p0;
	p2 =	por !p2, p0  }
0x3a: {  	s5 =	simm.s32 @p1 $0x180;
	s1 =	simm.s32 @!p2 $0x0;
	s2 =	ssub.s32 @!p0 s3, s2  }
0x3b: {  	s3 =	ssub.s32 @!p0 s5, s4;
	s0 =	smul.u32 @!p0 s0, s1;
	s1 =	sadd.s32 @!p0 $0xFFFFFED0, s2  }
0x3c: {  	s5 =	smov.u32 s17;
	s4 =	sadd.s32 @!p0 $0xFFFFFE80, s3;
	p1 =	sgt.s32 @!p0 s1, $0x7F  }
0x3d: {  	s1 =	ssub.s32 @!p0 $0x1B0, s2;
	s2 =	ssub.s32 @!p0 $0x200, s3;
	p2 =	sgt.s32 @!p0 s4, $0x7F  }
0x3e: {  	s3 =	sadd.s32 $0x80, s15;
	s4 =	sadd.s32 $0x80, s17;
	p2 =	por !p2, p0  }
0x3f: {  	p1 =	por !p1, p0;
	s2 =	simm.s32 @!p2 $0x0;
	p2 =	sgt.s32 s3, $0x1AF  }
0x40: {  	s1 =	simm.s32 @!p1 $0x0;
	s0 =	smul.u32 @!p0 s2, s0;
	s5 =	smov.u32 @p2 s4  }
0x41: {  	s2 =	sadd.s32 $0x8, s18;
	s4 =	smov.u32 s18;
	p1 =	sgt.s32 s5, $0x1EF  }
0x42: {  	s3 =	simm.s32 @p2 $0x0;
	s0 =	smul.u32 @!p0 s1, s0;
	s4 =	smov.u32 @p1 s2  }
0x43: {  	s1 =	sadd.s32 $0x4, s19;
	s2 =	smov.u32 s19;
	p2 =	sgt.s32 s4, $0x3F  }
0x44: {  	s23 =	smov.u32 s16;
	s12 =	smov.u32 s17;
	s2 =	smov.u32 @p2 s1  }
0x45: {  	s16 =	smov.u32 s19;
	s5 =	simm.s32 @p1 $0x0;
	p1 =	sgt.s32 s2, $0x3  }
0x46: {  	s22 =	smov.u32 s14;
	s2 =	smov.u32 @p1 s8;
	p1 =	sne.s32 s13, $0x82  }
.Ltmp1:
0x47: {  	s14 =	smov.u32 s18;
	s21 =	smov.u32 s11;
	(pc) =	sbr.rel @!p1 .LBB1_20-.Ltmp1, $4  }
0x48: {  	s11 =	smov.u32 s15;
	s0 =	sand.u32 @!p0 $0x3FFFFFFF, s0;
	s1 =	simm.s32 @!p0 $0x2  }
0x49: {  	s15 =	smov.u32 s3;
	s17 =	smov.u32 s5;
	_ =	swait.ge @!p0 [sflag:s1], s0  }
0x4a: {  	s4 =	smov.u32 @p2 s9;
	s0 =	ssub.s32 @!p0 $0x0, s0;
	[sflag:s1] =	ssyncset.done @!p0 $0x0  }
0x4b: {  	s18 =	smov.u32 s4;
	[sflag:s1] =	ssyncadd.s32 @!p0 s0;
	s19 =	smov.u32 s2  }
.LBB1_1:
0x4c: {  	p0 =	sgt.u32 s13, $0x7F  }
.Ltmp2:
0x4d: {  	_ = 	snop;
	(pc) =	sbr.rel @p0 .LBB1_3-.Ltmp2, $1  }
0x4e: {  	_ =	sdelay $0x3  }
0x4f: {  	s0 =	sand.u32 $0x78, s15;
	s1 =	sshll.u32 s17, $0x9  }
0x50: {  	s2 =	sshll.u32 s15, $0x3;
	s3 =	sshll.u32 s17, $0x7;
	p0 =	sgt.s32 s19, $0x3  }
0x51: {  	s26 =	sshra.s32 s19, $0x1F;
	s4 =	smov.u32 s18;
	s5 =	sshra.s32 s18, $0x1F  }
0x52: {  	s29 =	sshra.s32 s17, $0x1F;
	s31 =	sshra.s32 s15, $0x1F;
	s1 =	sand.u32 $0xFFFFF000, s1  }
0x53: {  	s2 =	sand.u32 $0xFFFFFC00, s2;
	s25 =	sand.u32 $0x200, s3;
	s3 =	sand.u32 $0x180, s3  }
0x54: {  	s27 =	sand.u32 s5, s18;
	s30 =	sand.u32 s29, s17;
	s29 =	sand.u32 $0x7, s15  }
0x55: {  	s1 =	sadd.s32 s1, s2;
	s0 =	sor.u32 s0, s3;
	s2 =	smov.u32 s19  }
0x56: {  	s3 =	sand.u32 s26, s19;
	s26 =	smul.u32 $0x7C00, s18;
	s1 =	sor.u32 s25, s1  }
0x57: {  	s2 =	simm.s32 @!p0 $0x3;
	p0 =	sgt.s32 s18, $0x3F;
	s25 =	smul.u32 $0x1F0000, s19  }
0x58: {  	s0 =	sshrl.u32 s0, $0x3;
	s1 =	sshrl.u32 s1, $0x9;
	s2 =	ssub.s32 s2, s3  }
0x59: {  	s4 =	simm.s32 @!p0 $0x3F;
	s28 =	smulhi.u32 $0x842109, s1;
	s6 =	sadd.s32 $0xFFFFFFFD, s2  }
0x5a: {  	s3 =	ssub.s32 s4, s27;
	s2 =	ssub.s32 $0x4, s2;
	p0 =	sgt.s32 s6, $0x0  }
0x5b: {  	s4 =	sadd.s32 $0xFFFFFFC1, s3;
	s3 =	ssub.s32 $0x40, s3;
	s6 =	sand.u32 s31, s15  }
0x5c: {  	s2 =	simm.s32 @p0 $0x0;
	p0 =	sgt.s32 s4, $0x0;
	s4 =	smov.u32 s17  }
0x5d: {  	s5 =	smul.u32 $0x1F0, s28;
	s3 =	simm.s32 @p0 $0x0;
	p0 =	sgt.s32 s17, $0x170  }
0x5e: {  	s28 =	rddreg [dreg:$0x0];
	s2 =	smul.u32 s2, s3;
	s4 =	simm.s32 @!p0 $0x170  }
0x5f: {  	p0 =	sgt.s32 s15, $0x180;
	s3 =	ssub.s32 s4, s30;
	s4 =	smov.u32 s15  }
0x60: {  	s1 =	ssub.s32 s1, s5;
	s7 =	sadd.s32 $0xFFFFFE90, s3;
	s4 =	simm.s32 @!p0 $0x180  }
0x61: {  	s3 =	ssub.s32 $0x1F0, s3;
	p0 =	sgt.s32 s7, $0x7F;
	s4 =	ssub.s32 s4, s6  }
0x62: {  	s1 =	sshll.u32 s1, $0x6;
	s3 =	simm.s32 @p0 $0x0;
	s24 =	sadd.s32 $0xFFFFFE80, s4  }
0x63: {  	s2 =	smul.u32 s3, s2;
	p0 =	sgt.s32 s24, $0x7F;
	s3 =	ssub.s32 $0x200, s4  }
0x64: {  	s30 =	sshll.u32 s29, $0x12;
	s4 =	sadd.s32 s28, s25;
	s3 =	simm.s32 @p0 $0x0  }
0x65: {  	s7 =	sxor.u32 $0xFFFFFFFF, s13;
	s4 =	sadd.s32 s26, s4;
	s2 =	smul.u32 s3, s2  }
0x66: {  	s31 =	sor.u32 $0x400, s30;
	s6 =	sshll.u32 s7, $0xE;
	s0 =	sadd.s32 s0, s4  }
0x67: {  	s27 =	sand.u32 $0x4000, s6;
	s0 =	sadd.s32 s1, s0;
	s2 =	sand.u32 $0x3FFFFFFF, s2  }
0x68: {  	[tilespmem:s27], [sflag:$0x1] =	stream.strided.gather [hbm4b:s0+s31], s2, s10, s31, $0x38;
	[tilespmem:$0x10100] =	vst v63  }
.LBB1_3:
0x69: {  	p0 =	seq.s32 s13, $0x0  }
0x6a: {  	p1 =	seq.s32 @!p0 s13, $0x81  }
0x6b: {  	p0 =	por p0, p1  }
.Ltmp3:
0x6c: {  	_ = 	snop;
	(pc) =	sbr.rel @p0 .LBB1_19-.Ltmp3, $1  }
0x6d: {  	_ =	sdelay $0x3  }
0x6e: {  	[dreg:$0x11] =	wrdreg s23  }
0x6f: {  	[dreg:$0x10] =	wrdreg s22  }
0x70: {  	[dreg:$0xf] =	wrdreg s21  }
0x71: {  	[dreg:$0xe] =	wrdreg s20  }
0x72: {  	[dreg:$0xd] =	wrdreg s19  }
0x73: {  	[dreg:$0xc] =	wrdreg s18  }
0x74: {  	[dreg:$0xb] =	wrdreg s17  }
0x75: {  	[dreg:$0x9] =	wrdreg s15;
	p0 =	sgt.s32 s16, $0x3;
	s0 =	smov.u32 s16  }
0x76: {  	s1 =	sshra.s32 s16, $0x1F;
	s2 =	sshra.s32 s14, $0x1F;
	s19 =	ssub.s32 $0x0, s12  }
0x77: {  	s20 =	sshra.s32 s12, $0x1F;
	p1 =	sgt.s32 s12, $0x170;
	s4 =	smov.u32 s12  }
0x78: {  	s23 =	ssub.s32 $0x0, s11;
	s24 =	sshra.s32 s11, $0x1F;
	s0 =	simm.s32 @!p0 $0x3  }
0x79: {  	s1 =	sand.u32 s1, s16;
	p0 =	sgt.s32 s14, $0x3F;
	s2 =	sand.u32 s2, s14  }
0x7a: {  	s4 =	simm.s32 @!p1 $0x170;
	s0 =	ssub.s32 s0, s1;
	s1 =	smov.u32 s14  }
0x7b: {  	s3 =	sadd.s32 $0xFFFFFFFD, s0;
	s1 =	simm.s32 @!p0 $0x3F;
	s0 =	ssub.s32 $0x4, s0  }
0x7c: {  	p0 =	sgt.s32 s3, $0x0;
	s1 =	ssub.s32 s1, s2;
	s2 =	sand.u32 s19, s20  }
0x7d: {  	s3 =	smov.u32 s11;
	s5 =	sadd.s32 $0xFFFFFFC1, s1;
	s1 =	ssub.s32 $0x40, s1  }
0x7e: {  	[dreg:$0x13] =	wrdreg s2;
	s2 =	sadd.s32 s2, s4;
	s0 =	simm.s32 @p0 $0x0  }
0x7f: {  	p1 =	sgt.s32 s5, $0x0;
	s21 =	sadd.s32 $0xFFFFFE90, s2;
	s2 =	ssub.s32 $0x1F0, s2  }
0x80: {  	s1 =	simm.s32 @p1 $0x0;
	p0 =	sgt.s32 s21, $0x7F;
	p1 =	sgt.s32 s11, $0x180  }
0x81: {  	s22 =	smul.u32 s0, s1;
	s0 =	sand.u32 s23, s24;
	s3 =	simm.s32 @!p1 $0x180  }
0x82: {  	s2 =	simm.s32 @p0 $0x0;
	[dreg:$0x14] =	wrdreg s0;
	s0 =	sadd.s32 s0, s3  }
0x83: {  	[dreg:$0x5] =	wrdreg s11;
	s25 =	smul.u32 s2, s22;
	s26 =	sadd.s32 $0xFFFFFE80, s0  }
0x84: {  	s0 =	ssub.s32 $0x200, s0;
	s2 =	sadd.s32 $0x1, s16;
	p0 =	sgt.s32 s26, $0x7F  }
0x85: {  	s3 =	sadd.s32 $0x1, s14;
	s0 =	simm.s32 @p0 $0x0;
	p0 =	slt.s32 s2, $0x4  }
0x86: {  	[dreg:$0xa] =	wrdreg s16;
	s2 =	simm.s32 @!p0 $0x4;
	p0 =	slt.s32 s3, $0x40  }
0x87: {  	s1 =	sadd.s32 $0x80, s12;
	s2 =	ssub.s32 s2, s16;
	s3 =	simm.s32 @!p0 $0x40  }
0x88: {  	p1 =	slt.s32 s1, $0x1F0;
	s3 =	ssub.s32 s3, s14;
	p0 =	slt.s32 s2, $0x1  }
0x89: {  	[dreg:$0x8] =	wrdreg s14;
	s1 =	simm.s32 @!p1 $0x1F0;
	p1 =	slt.s32 @!p0 s3, $0x1  }
0x8a: {  	[dreg:$0x6] =	wrdreg s12;
	s27 =	ssub.s32 s1, s12;
	p1 =	por p0, p1  }
0x8b: {  	[dreg:$0x7] =	wrdreg s13;
	p2 =	slt.s32 @!p1 s27, $0x1  }
0x8c: {  	[dreg:$0x12] =	wrdreg s22;
	s0 =	smul.u32 s0, s25;
	p1 =	por p1, p2  }
.Ltmp4:
0x8d: {  	s29 =	simm.s32 $0x1;
	[dreg:$0x16] =	wrdreg s2;
	(pc) =	sbr.rel @p1 .LBB1_18-.Ltmp4, $4  }
0x8e: {  	s28 =	sand.u32 $0x3FFFFFFF, s0;
	s0 =	sand.u32 $0x1, s13;
	[dreg:$0x17] =	wrdreg s3  }
0x8f: {  	s31 =	smul.u32 $0x4080, s0;
	_ =	swait.ge [sflag:s29], s28  }
0x90: {  	s30 =	ssub.s32 $0x0, s28;
	[sflag:s29] =	ssyncset.done $0x0  }
0x91: {  	[dreg:$0x15] =	wrdreg s31;
	[sflag:s29] =	ssyncadd.s32 s30  }
0x92: {  	s2 =	rddreg [dreg:$0x5]  }
0x93: {  	s1 =	sadd.s32 $0x80, s2  }
0x94: {  	p1 =	slt.s32 s1, $0x1B0  }
0x95: {  	s1 =	simm.s32 @!p1 $0x1B0  }
.Ltmp5:
0x96: {  	s1 =	ssub.s32 s1, s2;
	(pc) =	sbr.rel .LBB1_6-.Ltmp5, $4  }
0x97: {  	s30 =	sshll.u32 @!p0 s0, $0xE;
	s0 =	rddreg [dreg:$0x15];
	s2 =	sadd.s32 $0xF, s1  }
0x98: {  	s31 =	sor.u32 @!p0 $0x8000, s0;
	s28 =	sand.u32 $0xFFFFFFF0, s2  }
0x99: {  	s29 =	sand.u32 @!p0 $0xFFFFFF00, s2;
	s1 =	sshll.u32 s2, $0x3;
	p0 =	slt.s32 s2, $0x100  }
0x9a: {  	s0 =	sand.u32 $0xFFFFF800, s1;
	s1 =	simm.s32 $0x0;
	p1 =	sge.s32 s29, s28  }
.LBB1_17:
0x9b: {  	s1 =	sadd.s32 $0x1, s1;
	s2 =	rddreg [dreg:$0x16]  }
0x9c: {  	p2 =	sne.s32 s1, s2  }
.Ltmp6:
0x9d: {  	_ = 	snop;
	(pc) =	sbr.rel @!p2 .LBB1_18-.Ltmp6, $1  }
0x9e: {  	_ =	sdelay $0x3  }
.LBB1_6:
.Ltmp7:
0x9f: {  	(pc) =	sbr.rel .LBB1_7-.Ltmp7, $2  }
0xa0: {  	_ =	sdelay $0x2  }
0xa1: {  	s2 =	simm.s32 $0x0  }
.LBB1_16:
0xa2: {  	s2 =	sadd.s32 $0x1, s2;
	s3 =	rddreg [dreg:$0x17]  }
0xa3: {  	p2 =	sne.s32 s2, s3  }
.Ltmp8:
0xa4: {  	_ = 	snop;
	(pc) =	sbr.rel @!p2 .LBB1_17-.Ltmp8, $1  }
0xa5: {  	_ =	sdelay $0x3  }
.LBB1_7:
.Ltmp9:
0xa6: {  	s3 =	sadd.s32 s1, s2;
	(pc) =	sbr.rel .LBB1_8-.Ltmp9, $4  }
0xa7: {  	s5 =	smul.u32 $0x10200, s3  }
0xa8: {  	s4 =	sshll.u32 s3, $0x10  }
0xa9: {  	s25 =	sshra.s32 s4, $0x2;
	s4 =	simm.s32 $0x0;
	s26 =	sshra.s32 s5, $0x2  }
0xaa: {  	s3 =	sadd.s32 s25, s30;
	s5 =	simm.s32 $0x400;
	s7 =	sadd.s32 s26, s31  }
.LBB1_15:
0xab: {  	s4 =	sadd.s32 $0x1, s4  }
0xac: {  	p2 =	sne.s32 s4, s27  }
.Ltmp10:
0xad: {  	_ = 	snop;
	(pc) =	sbr.rel @!p2 .LBB1_16-.Ltmp10, $2  }
0xae: {  	_ =	sdelay $0x2  }
0xaf: {  	s5 =	sadd.s32 $0x80, s5  }
.LBB1_8:
.Ltmp11:
0xb0: {  	(pc) =	sbr.rel @p0 .LBB1_12-.Ltmp11, $2  }
0xb1: {  	_ =	sdelay $0x2  }
0xb2: {  	s6 =	sshll.u32 s4, $0x7;
	s24 =	sand.u32 $0x7F, s4  }
0xb3: {  	s10 =	sshll.u32 s4, $0x3  }
0xb4: {  	s13 =	sand.u32 $0x380, s6;
	s8 =	sshrl.u32 s10, $0x7  }
0xb5: {  	s9 =	sadd.s32 $0x800, s10;
	s15 =	sadd.s32 $0x1000, s10;
	s18 =	sadd.s32 $0x1800, s10  }
0xb6: {  	s20 =	sadd.s32 $0x2800, s10;
	s26 =	sadd.s32 $0x3000, s10;
	s10 =	sadd.s32 $0x3800, s10  }
0xb7: {  	s11 =	sand.u32 $0x78, s8;
	s9 =	sshrl.u32 s9, $0x7;
	s17 =	sshrl.u32 s15, $0x7  }
0xb8: {  	s15 =	sshrl.u32 s18, $0x7;
	s25 =	sshrl.u32 s20, $0x7;
	s10 =	sshrl.u32 s10, $0x7  }
0xb9: {  	s16 =	sadd.s32 $0x10, s8;
	s12 =	smul.u32 $0x204, s11;
	s9 =	sand.u32 $0x78, s9  }
0xba: {  	s20 =	sadd.s32 $0x30, s8;
	s11 =	sxor.u32 $0x40, s11;
	s14 =	smul.u32 $0x204, s9  }
0xbb: {  	s19 =	sand.u32 $0x78, s15;
	s10 =	sand.u32 $0x78, s10;
	s11 =	smul.u32 $0x204, s11  }
0xbc: {  	s9 =	sadd.s32 s13, s3;
	s13 =	sand.u32 $0x78, s17;
	s10 =	smul.u32 $0x204, s10  }
0xbd: {  	s12 =	sshrl.u32 s12, $0x2;
	s13 =	smul.u32 $0x204, s13;
	v0 =	vmov s9;
	s9 =	sand.u32 $0x3C00, s5  }
0xbe: {  	s12 =	sadd.s32 s12, s7;
	s14 =	sshrl.u32 s14, $0x2;
	s11 =	sshrl.u32 s11, $0x2  }
0xbf: {  	s10 =	sshrl.u32 s10, $0x2;
	s14 =	sadd.s32 s14, s7;
	s21 =	sadd.s32 s24, s12  }
0xc0: {  	s13 =	sshrl.u32 s13, $0x2;
	s12 =	smul.u32 $0x204, s19;
	s11 =	sadd.s32 s11, s7  }
0xc1: {  	s19 =	sadd.s32 $0x20, s8;
	s10 =	sadd.s32 s10, s7;
	s13 =	sadd.s32 s13, s7  }
0xc2: {  	s23 =	sadd.s32 s24, s13;
	s12 =	sshrl.u32 s12, $0x2;
	s13 =	sand.u32 $0x78, s25  }
0xc3: {  	s22 =	sadd.s32 s24, s14;
	s12 =	sadd.s32 s12, s7;
	s13 =	smul.u32 $0x204, s13  }
0xc4: {  	s17 =	sadd.s32 s24, s11;
	s18 =	sadd.s32 s24, s12;
	s12 =	sshrl.u32 s26, $0x7  }
0xc5: {  	s25 =	sadd.s32 $0x50, s8;
	s14 =	sshrl.u32 s13, $0x2;
	s11 =	sand.u32 $0x78, s12  }
0xc6: {  	s12 =	sadd.s32 s14, s7;
	s15 =	smul.u32 $0x204, s11;
	s14 =	sand.u32 $0x78, s19  }
0xc7: {  	s19 =	sadd.s32 s24, s10;
	s11 =	sadd.s32 s24, s12;
	s12 =	sand.u32 $0x78, s16  }
0xc8: {  	s14 =	smul.u32 $0x204, s14;
	s16 =	sadd.s32 $0x60, s8;
	s8 =	sadd.s32 $0x70, s8  }
0xc9: {  	s13 =	sshrl.u32 s15, $0x2;
	s12 =	smul.u32 $0x204, s12;
	s15 =	sand.u32 $0x78, s25  }
0xca: {  	s26 =	sand.u32 $0x78, s16;
	s8 =	sand.u32 $0x78, s8;
	s25 =	smul.u32 $0x204, s15  }
0xcb: {  	s14 =	sshrl.u32 s14, $0x2;
	s16 =	smul.u32 $0x204, s26;
	s12 =	sshrl.u32 s12, $0x2  }
0xcc: {  	v1 =	vld.idx.msk [tilespmem:v0+s9+$0x0 ss:$0x1], $0xffff;
	s8 =	smul.u32 $0x204, s8;
	s14 =	sadd.s32 s14, s7;
	s10 =	sadd.s32 s12, s7  }
0xcd: {  	s12 =	sand.u32 $0x78, s20;
	s20 =	sadd.s32 s24, s14;
	s14 =	sshrl.u32 s25, $0x2  }
0xce: {  	s25 =	sshrl.u32 s16, $0x2;
	s8 =	sshrl.u32 s8, $0x2;
	s15 =	sadd.s32 s24, s10  }
0xcf: {  	s10 =	sadd.s32 s14, s7;
	s14 =	sadd.s32 s25, s7;
	s26 =	sadd.s32 s8, s7  }
0xd0: {  	s8 =	sadd.s32 s24, s14;
	s14 =	sadd.s32 s24, s26;
	s26 =	sadd.s32 $0xFFFFFC00, s5  }
0xd1: {  	[tilespmem:s21+$0x0 ss:$0x81] =	vst.msk $0xffff, v1;
	v1 =	vld.idx.msk [tilespmem:v0+s9+$0x20 ss:$0x1], $0xffff;
	s16 =	sadd.s32 s24, s10;
	s10 =	sand.u32 $0x3C00, s26  }
0xd2: {  	v2 =	vld.idx.msk [tilespmem:v0+s10+$0x70 ss:$0x1], $0xffff  }
0xd3: {  	v3 =	vld.idx.msk [tilespmem:v0+s10+$0x0 ss:$0x1], $0xffff  }
0xd4: {  	v4 =	vld.idx.msk [tilespmem:v0+s10+$0x10 ss:$0x1], $0xffff  }
0xd5: {  	v5 =	vld.idx.msk [tilespmem:v0+s10+$0x20 ss:$0x1], $0xffff  }
0xd6: {  	v6 =	vld.idx.msk [tilespmem:v0+s10+$0x30 ss:$0x1], $0xffff  }
0xd7: {  	v7 =	vld.idx.msk [tilespmem:v0+s10+$0x40 ss:$0x1], $0xffff;
	[tilespmem:s19+$0x0 ss:$0x81] =	vst.msk $0xffff, v2  }
0xd8: {  	v8 =	vld.idx.msk [tilespmem:v0+s10+$0x50 ss:$0x1], $0xffff;
	[tilespmem:s21+$0x0 ss:$0x81] =	vst.msk $0xffff, v3  }
0xd9: {  	p2 =	sgt.s32 s29, $0x100;
	s12 =	smul.u32 $0x204, s12;
	v9 =	vld.idx.msk [tilespmem:v0+s10+$0x60 ss:$0x1], $0xffff;
	[tilespmem:s22+$0x0 ss:$0x81] =	vst.msk $0xffff, v4  }
.Ltmp12:
0xda: {  	v4 =	vld.idx.msk [tilespmem:v0+s9+$0x10 ss:$0x1], $0xffff;
	[tilespmem:s23+$0x0 ss:$0x81] =	vst.msk $0xffff, v5;
	(pc) =	sbr.rel @!p2 .LBB1_11-.Ltmp12, $4  }
0xdb: {  	[tilespmem:s18+$0x0 ss:$0x81] =	vst.msk $0xffff, v6;
	v2 =	vld.idx.msk [tilespmem:v0+s9+$0x30 ss:$0x1], $0xffff  }
0xdc: {  	s13 =	sadd.s32 s13, s7;
	s12 =	sshrl.u32 s12, $0x2;
	[tilespmem:s17+$0x0 ss:$0x81] =	vst.msk $0xffff, v7;
	v3 =	vld.idx.msk [tilespmem:v0+s9+$0x40 ss:$0x1], $0xffff  }
0xdd: {  	s13 =	sadd.s32 s24, s13;
	s12 =	sadd.s32 s12, s7;
	[tilespmem:s11+$0x0 ss:$0x81] =	vst.msk $0xffff, v8;
	v5 =	vld.idx.msk [tilespmem:v0+s9+$0x50 ss:$0x1], $0xffff  }
0xde: {  	s25 =	sadd.s32 $0x800, s5;
	s10 =	simm.s32 $0x100;
	s12 =	sadd.s32 s24, s12;
	[tilespmem:s13+$0x0 ss:$0x81] =	vst.msk $0xffff, v9;
	v6 =	vld.idx.msk [tilespmem:v0+s9+$0x60 ss:$0x1], $0xffff  }
.LBB1_10:
0xdf: {  	s26 =	sadd.s32 $0xFFFFFC00, s25;
	s10 =	sadd.s32 $0x100, s10;
	[tilespmem:s15+$0x0 ss:$0x81] =	vst.msk $0xffff, v4;
	v4 =	vld.idx.msk [tilespmem:v0+s9+$0x70 ss:$0x1], $0xffff;
	s9 =	sand.u32 $0x3C00, s25  }
0xe0: {  	s26 =	sand.u32 $0x3C00, s26;
	v7 =	vld.idx.msk [tilespmem:v0+s9+$0x0 ss:$0x1], $0xffff;
	p2 =	slt.s32 s10, s29;
	[tilespmem:s20+$0x0 ss:$0x81] =	vst.msk $0xffff, v1  }
0xe1: {  	v1 =	vld.idx.msk [tilespmem:v0+s26+$0x70 ss:$0x1], $0xffff;
	[tilespmem:s12+$0x0 ss:$0x81] =	vst.msk $0xffff, v2  }
0xe2: {  	v2 =	vld.idx.msk [tilespmem:v0+s26+$0x0 ss:$0x1], $0xffff;
	[tilespmem:s17+$0x0 ss:$0x81] =	vst.msk $0xffff, v3  }
0xe3: {  	v3 =	vld.idx.msk [tilespmem:v0+s26+$0x10 ss:$0x1], $0xffff;
	[tilespmem:s16+$0x0 ss:$0x81] =	vst.msk $0xffff, v5  }
0xe4: {  	v5 =	vld.idx.msk [tilespmem:v0+s26+$0x20 ss:$0x1], $0xffff;
	[tilespmem:s8+$0x0 ss:$0x81] =	vst.msk $0xffff, v6  }
0xe5: {  	v6 =	vld.idx.msk [tilespmem:v0+s26+$0x30 ss:$0x1], $0xffff;
	[tilespmem:s14+$0x0 ss:$0x81] =	vst.msk $0xffff, v4  }
0xe6: {  	v8 =	vld.idx.msk [tilespmem:v0+s26+$0x40 ss:$0x1], $0xffff;
	[tilespmem:s21+$0x0 ss:$0x81] =	vst.msk $0xffff, v7  }
0xe7: {  	v7 =	vld.idx.msk [tilespmem:v0+s26+$0x50 ss:$0x1], $0xffff;
	[tilespmem:s19+$0x0 ss:$0x81] =	vst.msk $0xffff, v1  }
0xe8: {  	[tilespmem:s21+$0x0 ss:$0x81] =	vst.msk $0xffff, v2;
	v9 =	vld.idx.msk [tilespmem:v0+s26+$0x60 ss:$0x1], $0xffff  }
0xe9: {  	[tilespmem:s22+$0x0 ss:$0x81] =	vst.msk $0xffff, v3;
	v4 =	vld.idx.msk [tilespmem:v0+s9+$0x10 ss:$0x1], $0xffff  }
.Ltmp13:
0xea: {  	[tilespmem:s23+$0x0 ss:$0x81] =	vst.msk $0xffff, v5;
	v1 =	vld.idx.msk [tilespmem:v0+s9+$0x20 ss:$0x1], $0xffff;
	(pc) =	sbr.rel @p2 .LBB1_10-.Ltmp13, $4  }
0xeb: {  	[tilespmem:s18+$0x0 ss:$0x81] =	vst.msk $0xffff, v6;
	v2 =	vld.idx.msk [tilespmem:v0+s9+$0x30 ss:$0x1], $0xffff  }
0xec: {  	[tilespmem:s17+$0x0 ss:$0x81] =	vst.msk $0xffff, v8;
	v3 =	vld.idx.msk [tilespmem:v0+s9+$0x40 ss:$0x1], $0xffff  }
0xed: {  	[tilespmem:s11+$0x0 ss:$0x81] =	vst.msk $0xffff, v7;
	v5 =	vld.idx.msk [tilespmem:v0+s9+$0x50 ss:$0x1], $0xffff  }
0xee: {  	s25 =	sadd.s32 $0x800, s25;
	[tilespmem:s13+$0x0 ss:$0x81] =	vst.msk $0xffff, v9;
	v6 =	vld.idx.msk [tilespmem:v0+s9+$0x60 ss:$0x1], $0xffff  }
.LBB1_11:
0xef: {  	_ =	sdelay $0x2  }
0xf0: {  	[tilespmem:s15+$0x0 ss:$0x81] =	vst.msk $0xffff, v4  }
0xf1: {  	v0 =	vld.idx.msk [tilespmem:v0+s9+$0x70 ss:$0x1], $0xffff;
	[tilespmem:s20+$0x0 ss:$0x81] =	vst.msk $0xffff, v1  }
0xf2: {  	[tilespmem:s12+$0x0 ss:$0x81] =	vst.msk $0xffff, v2  }
0xf3: {  	[tilespmem:s17+$0x0 ss:$0x81] =	vst.msk $0xffff, v3  }
0xf4: {  	[tilespmem:s16+$0x0 ss:$0x81] =	vst.msk $0xffff, v5  }
0xf5: {  	[tilespmem:s8+$0x0 ss:$0x81] =	vst.msk $0xffff, v6  }
0xf6: {  	[tilespmem:s14+$0x0 ss:$0x81] =	vst.msk $0xffff, v0  }
.LBB1_12:
.Ltmp14:
0xf7: {  	(pc) =	sbr.rel @p1 .LBB1_15-.Ltmp14, $1  }
0xf8: {  	_ =	sdelay $0x3  }
0xf9: {  	s9 =	sand.u32 $0x380, s6;
	s8 =	sshrl.u32 s4, $0x4;
	s10 =	sadd.s32 s24, s7  }
0xfa: {  	s11 =	smov.u32 s0;
	s12 =	smov.u32 s29;
	s9 =	sadd.s32 s9, s3  }
.LBB1_14:
0xfb: {  	s13 =	sand.u32 $0x3C00, s11  }
0xfc: {  	s13 =	sadd.s32 s6, s13  }
0xfd: {  	s13 =	sand.u32 $0x3C00, s13  }
0xfe: {  	s14 =	sand.u32 $0x70, s12;
	s25 =	sadd.s32 s12, s8;
	s13 =	sadd.s32 s13, s9  }
0xff: {  	s12 =	sadd.s32 $0x10, s12;
	s26 =	sand.u32 $0x78, s25;
	s13 =	sadd.s32 s14, s13  }
0x100: {  	p2 =	slt.s32 s12, s28;
	v0 =	vld [tilespmem:s13+$0x0];
	s13 =	smul.u32 $0x204, s26  }
.Ltmp15:
0x101: {  	_ = 	snop;
	(pc) =	sbr.rel @p2 .LBB1_14-.Ltmp15, $4  }
0x102: {  	_ = 	snop  }
0x103: {  	s13 =	sshrl.u32 s13, $0x2  }
0x104: {  	s13 =	sadd.s32 s13, s10  }
0x105: {  	s11 =	sadd.s32 $0x80, s11;
	[tilespmem:s13+$0x0 ss:$0x81] =	vst.msk $0xffff, v0  }
.Ltmp16:
0x106: {  	_ = 	snop;
	(pc) =	sbr.rel .LBB1_15-.Ltmp16, $1  }
0x107: {  	_ =	sdelay $0x3  }
.LBB1_20:
0x108: {  	_ =	sfence.sel $0x180000  }
0x109: {  	s0 =	simm.s32 $0x1;
	[bflag:$0x0] =	sbarrier.arrive $0xFFFF  }
0x10a: {  	s30 =	simm.s32 $0x2;
	[sflag:s0] =	ssyncpa.u1 $0x1  }
0x10b: {  	[sflag:s30] =	ssyncpa.u1 $0x1  }
0x10c: {  	_ =	strace $0x9000004A  }
0x10d: {  	s31 =	stileid.u32;
	[bflag:$0x2] =	sbarrier.arrive $0xFFFF  }
0x10e: {  	p0 =	sne.s32 s31, $0x0;
	s0 =	rddreg [dreg:$0x2]  }
0x10f: {  	s0 =	sadd.s32 @!p0 $0x100000, s0  }
0x110: {  	[sflag:s0] =	ssyncadd.tile.s32 @!p0 $0x1;
	_ =	shalt  }
.Lfunc_end1:
_tile_overlayer_lowered:
.L_overlay_start_2:
0x111: {  	(tag) =	ssettag $0x2  }
0x112: {  	s0 =	rddreg [dreg:$0x0];
	s2 =	stileid.u32  }
0x113: {  	s1 =	rddreg [dreg:$0x1];
	p0 =	sne.s32 s2, $0x0  }
0x114: {  	s3 =	rddreg [dreg:$0x2];
	[bflag:$0x3] =	sbarrier.arrive $0xFFFF;
	s2 =	simm.s32 @!p0 $0x1C01  }
0x115: {  	[timem:s3], [sflag:s2] =	dma.local @!p0 [hbm:s0], s1  }
0x116: {  	s0 =	simm.s32 @!p0 $0x1  }
0x117: {  	_ =	swait.ge @!p0 [sflag:s0], s1  }
0x118: {  	s1 =	ssub.s32 @!p0 $0x0, s1;
	[sflag:s0] =	ssyncset.done @!p0 $0x0  }
0x119: {  	[sflag:s0] =	ssyncadd.s32 @!p0 s1  }
0x11a: {  	[bflag:$0x3] =	sbarrier.arrive $0xFFFF  }
0x11b: {  	_ =	shalt  }

</sc_bundles>
